<compile_context>
chip_gen: v7x
topology: tpu7x:2x2x1
jax: 0.10.2.dev20260603
libtpu: 0.0.44.dev20260713+nightly
codegen_flags: <defaults>
</compile_context>

<pallas_src>
import functools
import jax
import jax.numpy as jnp
from jax import lax
from jax.experimental import pallas as pl
from jax.experimental.pallas import tpu as pltpu
from jax.experimental.pallas import tpu_sc as plsc

D_MODEL = 64
SCALE = 8.0
NUM_CORES = 2
NUM_SUBCORES = 16
NUM_WORKERS = NUM_CORES * NUM_SUBCORES
CHUNK = 128


@functools.partial(jax.jit, static_argnames=("n_idx",))
def _emb_lookup(x_flat, lut_padded, n_idx):
    per_worker = n_idx // NUM_WORKERS
    n_chunks = per_worker // CHUNK
    mesh = plsc.VectorSubcoreMesh(core_axis_name="c", subcore_axis_name="s")

    @functools.partial(
        pl.kernel,
        mesh=mesh,
        out_type=jax.ShapeDtypeStruct((n_idx, D_MODEL), jnp.float32),
        scratch_types=[
            pltpu.VMEM((4, CHUNK), jnp.int32),
            pltpu.VMEM((2, CHUNK, 128), jnp.float32),
            pltpu.VMEM((2, CHUNK, D_MODEL), jnp.float32),
            pltpu.SemaphoreType.DMA,
            pltpu.SemaphoreType.DMA,
            pltpu.SemaphoreType.DMA,
            pltpu.SemaphoreType.DMA,
            pltpu.SemaphoreType.DMA,
            pltpu.SemaphoreType.DMA,
            pltpu.SemaphoreType.DMA,
            pltpu.SemaphoreType.DMA,
        ],
        compiler_params=pltpu.CompilerParams(use_tc_tiling_on_sc=True),
    )
    def body(x_hbm, lut_hbm, out_hbm, idxb, gbuf, sbuf,
             i0, i1, i2, i3, g0, g1, o0, o1):
        isems = (i0, i1, i2, i3)
        gsems = (g0, g1)
        osems = (o0, o1)
        wid = lax.axis_index("s") * NUM_CORES + lax.axis_index("c")
        base = wid * per_worker

        def idx_copy(g, b4):
            return pltpu.make_async_copy(
                x_hbm.at[pl.ds(base + g * CHUNK, CHUNK)], idxb.at[b4],
                isems[b4],
            )

        def gather(b, b4):
            return pltpu.make_async_copy(
                lut_hbm.at[idxb.at[b4]], gbuf.at[b], gsems[b]
            )

        def out_copy(g, b):
            return pltpu.make_async_copy(
                sbuf.at[b],
                out_hbm.at[pl.ds(base + g * CHUNK, CHUNK)],
                osems[b],
            )

        def scale(br):
            @plsc.parallel_loop(0, CHUNK, 1, unroll=8)
            def _scale_row(r):
                for m in range(D_MODEL // 16):
                    sbuf[br, r, pl.ds(16 * m, 16)] = (
                        gbuf[br, r, pl.ds(16 * m, 16)] * SCALE
                    )

        idx_copy(0, 0).start()
        idx_copy(1, 1).start()

        def step(s4, carry):
            for b4 in range(4):
                g = s4 * 4 + b4
                b = b4 % 2
                idx_copy(g, b4).wait()

                @pl.when(g > 1)
                def _():
                    out_copy(g - 2, b).wait()

                gather(b, b4).start()

                @pl.when(g + 2 < n_chunks)
                def _():
                    idx_copy(g + 2, (b4 + 2) % 4).start()

                bp = 1 - b

                @pl.when(g > 0)
                def _():
                    gather(bp, (b4 + 3) % 4).wait()
                    scale(bp)
                    out_copy(g - 1, bp).start()

            return carry

        lax.fori_loop(0, n_chunks // 4, step, 0)

        bl = (n_chunks - 1) % 2
        gather(bl, (n_chunks - 1) % 4).wait()
        scale(bl)
        out_copy(n_chunks - 1, bl).start()
        out_copy(n_chunks - 2, 1 - bl).wait()
        out_copy(n_chunks - 1, bl).wait()

    return body(x_flat, lut_padded)


def kernel(x, lut):
    n_idx = x.shape[0] * x.shape[1]
    x_flat = x.reshape(n_idx)
    lut_padded = jnp.pad(lut, ((0, 0), (0, 128 - D_MODEL)))
    out = _emb_lookup(x_flat, lut_padded, n_idx)
    return out.reshape(x.shape[0], x.shape[1], D_MODEL)

# --- scband reference (transcript-rebuilt; emitter-appended) ---
"""Pipeline reference for scband-embeddings-18227841204636 (READ-ONLY COPY).

The authoritative reference and input builder live on the scoring server;
editing this copy changes nothing except your own understanding.
"""

import jax, jax.numpy as jnp
import numpy as np
import math

N_TOKEN = 1000000
D_MODEL = 64

def setup_inputs(seed: int = 0) -> dict:
    key = jax.random.key(seed)
    k1, k2 = jax.random.split(key)
    x = jax.random.randint(k1, (4096, 200), 0, N_TOKEN, dtype=jnp.int64 if jax.config.jax_enable_x64 else jnp.int32)
    lut = jax.random.normal(k2, (N_TOKEN, D_MODEL), dtype=jnp.float32)
    return {"x": x, "lut": lut}

def reference(x, lut):
    emb = jnp.take(lut, x, axis=0)
    return emb * math.sqrt(D_MODEL)

if __name__ == "__main__":
    import jax
    _d = setup_inputs()
    print(jax.jit(kernel)(*tuple(_d.values())))

</pallas_src>

<mosaic_0001>
#map = affine_map<(d0, d1) -> (0)>
#map1 = affine_map<(d0, d1) -> (0, 0)>
module attributes {stable_mosaic.version = 14 : i64} {
  func.func @body(%arg0: i32, %arg1: i32, %arg2: memref<819200xi32, #tpu.memory_space<hbm>>, %arg3: memref<1000000x128xf32, #tpu.memory_space<hbm>>, %arg4: memref<819200x64xf32, #tpu.memory_space<hbm>>, %arg5: memref<4x128xi32, #tpu.memory_space<vmem>>, %arg6: memref<2x128x128xf32, #tpu.memory_space<vmem>>, %arg7: memref<2x128x64xf32, #tpu.memory_space<vmem>>, %arg8: memref<!tpu.dma_semaphore, #tpu.memory_space<semaphore_mem>>, %arg9: memref<!tpu.dma_semaphore, #tpu.memory_space<semaphore_mem>>, %arg10: memref<!tpu.dma_semaphore, #tpu.memory_space<semaphore_mem>>, %arg11: memref<!tpu.dma_semaphore, #tpu.memory_space<semaphore_mem>>, %arg12: memref<!tpu.dma_semaphore, #tpu.memory_space<semaphore_mem>>, %arg13: memref<!tpu.dma_semaphore, #tpu.memory_space<semaphore_mem>>, %arg14: memref<!tpu.dma_semaphore, #tpu.memory_space<semaphore_mem>>, %arg15: memref<!tpu.dma_semaphore, #tpu.memory_space<semaphore_mem>>) attributes {dimension_semantics = [#tpu.dimension_semantics<core_parallel>, #tpu.dimension_semantics<subcore_parallel>], iteration_bounds = array<i64: 2, 16>, scalar_prefetch = 0 : i64, scratch_operands = 11 : i64, tpu.core_type = #tpu.core_type<sc_vector_subcore>, window_params = [{transform_indices = #map}, {transform_indices = #map1}, {transform_indices = #map1}]} {
    %mul3A = arith.constant 2 : i32
    %mul3A_0 = arith.muli %arg1, %mul3A : i32
    %add3A = arith.addi %mul3A_0, %arg0 : i32
    %mul3A_1 = arith.constant 25600 : i32
    %mul3A_2 = arith.muli %add3A, %mul3A_1 : i32
    %add3A_3 = arith.constant 0 : i32
    %add3A_4 = arith.addi %mul3A_2, %add3A_3 : i32
    %dma_start3A = arith.constant 0 : i32
    %dma_start3A_5 = arith.constant 0 : i32
    %dma_start3A_6 = tpu.memref_slice %arg5[%dma_start3A, %dma_start3A_5] : memref<4x128xi32, #tpu.memory_space<vmem>> -> memref<1x128xi32, #tpu.memory_space<vmem>>
    %dma_start3A_7 = tpu.memref_squeeze %dma_start3A_6 : memref<1x128xi32, #tpu.memory_space<vmem>> -> memref<128xi32, #tpu.memory_space<vmem>>
    %dma_start3A_8 = tpu.memref_slice %arg2[%add3A_4] : memref<819200xi32, #tpu.memory_space<hbm>> -> memref<128xi32, #tpu.memory_space<hbm>>
    %dma_start3A_9 = arith.constant 0 : i32
    %dma_start3A_10 = tpu.memref_slice %arg5[%dma_start3A, %dma_start3A_9] : memref<4x128xi32, #tpu.memory_space<vmem>> -> memref<1x128xi32, #tpu.memory_space<vmem>>
    %dma_start3A_11 = tpu.memref_squeeze %dma_start3A_10 : memref<1x128xi32, #tpu.memory_space<vmem>> -> memref<128xi32, #tpu.memory_space<vmem>>
    %dma_start3A_12 = tpu.memref_slice %arg2[%add3A_4] : memref<819200xi32, #tpu.memory_space<hbm>> -> memref<128xi32, #tpu.memory_space<hbm>>
    tpu.enqueue_dma source(%dma_start3A_12 : memref<128xi32, #tpu.memory_space<hbm>>) target(%dma_start3A_11 : memref<128xi32, #tpu.memory_space<vmem>>) target_semaphore(%arg8 : memref<!tpu.dma_semaphore, #tpu.memory_space<semaphore_mem>>)
    %add3A_13 = arith.constant 128 : i32
    %add3A_14 = arith.addi %mul3A_2, %add3A_13 : i32
    %dma_start3A_15 = arith.constant 1 : i32
    %dma_start3A_16 = arith.constant 0 : i32
    %dma_start3A_17 = tpu.memref_slice %arg5[%dma_start3A_15, %dma_start3A_16] : memref<4x128xi32, #tpu.memory_space<vmem>> -> memref<1x128xi32, #tpu.memory_space<vmem>>
    %dma_start3A_18 = tpu.memref_squeeze %dma_start3A_17 : memref<1x128xi32, #tpu.memory_space<vmem>> -> memref<128xi32, #tpu.memory_space<vmem>>
    %dma_start3A_19 = tpu.memref_slice %arg2[%add3A_14] : memref<819200xi32, #tpu.memory_space<hbm>> -> memref<128xi32, #tpu.memory_space<hbm>>
    %dma_start3A_20 = arith.constant 0 : i32
    %dma_start3A_21 = tpu.memref_slice %arg5[%dma_start3A_15, %dma_start3A_20] : memref<4x128xi32, #tpu.memory_space<vmem>> -> memref<1x128xi32, #tpu.memory_space<vmem>>
    %dma_start3A_22 = tpu.memref_squeeze %dma_start3A_21 : memref<1x128xi32, #tpu.memory_space<vmem>> -> memref<128xi32, #tpu.memory_space<vmem>>
    %dma_start3A_23 = tpu.memref_slice %arg2[%add3A_14] : memref<819200xi32, #tpu.memory_space<hbm>> -> memref<128xi32, #tpu.memory_space<hbm>>
    tpu.enqueue_dma source(%dma_start3A_23 : memref<128xi32, #tpu.memory_space<hbm>>) target(%dma_start3A_22 : memref<128xi32, #tpu.memory_space<vmem>>) target_semaphore(%arg9 : memref<!tpu.dma_semaphore, #tpu.memory_space<semaphore_mem>>)
    %scan3A = arith.constant 0 : i32
    %scan3A_24 = arith.constant 0 : i32
    %scan3A_25 = arith.constant 50 : i32
    %scan3A_26 = arith.addi %scan3A_24, %scan3A_25 : i32
    %scan3A_27 = arith.constant 1 : i32
    scf.for %scan3A_87 = %scan3A_24 to %scan3A_26 step %scan3A_27  : i32 {
      %mul3A_88 = arith.constant 4 : i32
      %mul3A_89 = arith.muli %scan3A_87, %mul3A_88 : i32
      %add3A_90 = arith.constant 0 : i32
      %add3A_91 = arith.addi %mul3A_89, %add3A_90 : i32
      %mul3A_92 = arith.constant 128 : i32
      %mul3A_93 = arith.muli %add3A_91, %mul3A_92 : i32
      %add3A_94 = arith.addi %mul3A_2, %mul3A_93 : i32
      %dma_wait3A_95 = arith.constant 0 : i32
      %dma_wait3A_96 = arith.constant 0 : i32
      %dma_wait3A_97 = tpu.memref_slice %arg5[%dma_wait3A_95, %dma_wait3A_96] : memref<4x128xi32, #tpu.memory_space<vmem>> -> memref<1x128xi32, #tpu.memory_space<vmem>>
      %dma_wait3A_98 = tpu.memref_squeeze %dma_wait3A_97 : memref<1x128xi32, #tpu.memory_space<vmem>> -> memref<128xi32, #tpu.memory_space<vmem>>
      %dma_wait3A_99 = tpu.memref_slice %arg2[%add3A_94] : memref<819200xi32, #tpu.memory_space<hbm>> -> memref<128xi32, #tpu.memory_space<hbm>>
      %dma_wait3A_100 = arith.constant 0 : i32
      %dma_wait3A_101 = tpu.memref_slice %arg5[%dma_wait3A_95, %dma_wait3A_100] : memref<4x128xi32, #tpu.memory_space<vmem>> -> memref<1x128xi32, #tpu.memory_space<vmem>>
      %dma_wait3A_102 = tpu.memref_squeeze %dma_wait3A_101 : memref<1x128xi32, #tpu.memory_space<vmem>> -> memref<128xi32, #tpu.memory_space<vmem>>
      %dma_wait3A_103 = tpu.memref_slice %arg2[%add3A_94] : memref<819200xi32, #tpu.memory_space<hbm>> -> memref<128xi32, #tpu.memory_space<hbm>>
      tpu.wait_dma2 semaphore(%arg8 : memref<!tpu.dma_semaphore, #tpu.memory_space<semaphore_mem>>) src(%dma_wait3A_103 : memref<128xi32, #tpu.memory_space<hbm>>) dst(%dma_wait3A_102 : memref<128xi32, #tpu.memory_space<vmem>>)
      %gt3A = arith.constant 1 : i32
      %gt3A_104 = arith.cmpi sgt, %add3A_91, %gt3A : i32
      %convert_element_type3A = arith.extui %gt3A_104 : i1 to i32
      %cond3A = arith.constant 0 : i32
      %cond3A_105 = arith.cmpi ne, %convert_element_type3A, %cond3A : i32
      scf.if %cond3A_105 {
        %sub3A = arith.constant 2 : i32
        %sub3A_264 = arith.subi %add3A_91, %sub3A : i32
        %mul3A_265 = arith.constant 128 : i32
        %mul3A_266 = arith.muli %sub3A_264, %mul3A_265 : i32
        %add3A_267 = arith.addi %mul3A_2, %mul3A_266 : i32
        %dma_wait3A_268 = arith.constant 0 : i32
        %dma_wait3A_269 = arith.constant 0 : i32
        %dma_wait3A_270 = arith.constant 0 : i32
        %dma_wait3A_271 = tpu.memref_slice %arg7[%dma_wait3A_268, %dma_wait3A_269, %dma_wait3A_270] : memref<2x128x64xf32, #tpu.memory_space<vmem>> -> memref<1x128x64xf32, #tpu.memory_space<vmem>>
        %dma_wait3A_272 = tpu.memref_squeeze %dma_wait3A_271 : memref<1x128x64xf32, #tpu.memory_space<vmem>> -> memref<128x64xf32, #tpu.memory_space<vmem>>
        %dma_wait3A_273 = arith.constant 0 : i32
        %dma_wait3A_274 = tpu.memref_slice %arg4[%add3A_267, %dma_wait3A_273] : memref<819200x64xf32, #tpu.memory_space<hbm>> -> memref<128x64xf32, #tpu.memory_space<hbm>>
        %dma_wait3A_275 = arith.constant 0 : i32
        %dma_wait3A_276 = tpu.memref_slice %arg4[%add3A_267, %dma_wait3A_275] : memref<819200x64xf32, #tpu.memory_space<hbm>> -> memref<128x64xf32, #tpu.memory_space<hbm>>
        %dma_wait3A_277 = arith.constant 0 : i32
        %dma_wait3A_278 = arith.constant 0 : i32
        %dma_wait3A_279 = tpu.memref_slice %arg7[%dma_wait3A_268, %dma_wait3A_277, %dma_wait3A_278] : memref<2x128x64xf32, #tpu.memory_space<vmem>> -> memref<1x128x64xf32, #tpu.memory_space<vmem>>
        %dma_wait3A_280 = tpu.memref_squeeze %dma_wait3A_279 : memref<1x128x64xf32, #tpu.memory_space<vmem>> -> memref<128x64xf32, #tpu.memory_space<vmem>>
        tpu.wait_dma2 semaphore(%arg14 : memref<!tpu.dma_semaphore, #tpu.memory_space<semaphore_mem>>) src(%dma_wait3A_280 : memref<128x64xf32, #tpu.memory_space<vmem>>) dst(%dma_wait3A_276 : memref<128x64xf32, #tpu.memory_space<hbm>>)
      } else {
      }
      %dma_start3A_106 = arith.constant 0 : i32
      %dma_start3A_107 = arith.constant 0 : i32
      %dma_start3A_108 = arith.constant 0 : i32
      %dma_start3A_109 = arith.constant 0 : i32
      %dma_start3A_110 = tpu.memref_slice %arg6[%dma_start3A_107, %dma_start3A_108, %dma_start3A_109] : memref<2x128x128xf32, #tpu.memory_space<vmem>> -> memref<1x128x128xf32, #tpu.memory_space<vmem>>
      %dma_start3A_111 = tpu.memref_squeeze %dma_start3A_110 : memref<1x128x128xf32, #tpu.memory_space<vmem>> -> memref<128x128xf32, #tpu.memory_space<vmem>>
      %dma_start3A_112 = arith.constant 0 : i32
      %dma_start3A_113 = tpu.memref_slice %arg5[%dma_start3A_106, %dma_start3A_112] : memref<4x128xi32, #tpu.memory_space<vmem>> -> memref<1x128xi32, #tpu.memory_space<vmem>>
      %dma_start3A_114 = tpu.memref_squeeze %dma_start3A_113 : memref<1x128xi32, #tpu.memory_space<vmem>> -> memref<128xi32, #tpu.memory_space<vmem>>
      %dma_start3A_115 = arith.constant 0 : i32
      %dma_start3A_116 = arith.constant 0 : i32
      %dma_start3A_117 = tpu.memref_slice %arg3[%dma_start3A_115, %dma_start3A_116] : memref<1000000x128xf32, #tpu.memory_space<hbm>> -> memref<1000000x128xf32, #tpu.memory_space<hbm>>
      tpu.enqueue_indirect_dma source(%dma_start3A_117 : memref<1000000x128xf32, #tpu.memory_space<hbm>>) target(%dma_start3A_111 : memref<128x128xf32, #tpu.memory_space<vmem>>) offsets(%dma_start3A_114 : memref<128xi32, #tpu.memory_space<vmem>>) semaphore(%arg12 : memref<!tpu.dma_semaphore, #tpu.memory_space<semaphore_mem>>)
      %add3A_118 = arith.constant 2 : i32
      %add3A_119 = arith.addi %add3A_91, %add3A_118 : i32
      %lt3A = arith.constant 200 : i32
      %lt3A_120 = arith.cmpi slt, %add3A_119, %lt3A : i32
      %convert_element_type3A_121 = arith.extui %lt3A_120 : i1 to i32
      %cond3A_122 = arith.constant 0 : i32
      %cond3A_123 = arith.cmpi ne, %convert_element_type3A_121, %cond3A_122 : i32
      scf.if %cond3A_123 {
        %add3A_264 = arith.constant 2 : i32
        %add3A_265 = arith.addi %add3A_91, %add3A_264 : i32
        %mul3A_266 = arith.constant 128 : i32
        %mul3A_267 = arith.muli %add3A_265, %mul3A_266 : i32
        %add3A_268 = arith.addi %mul3A_2, %mul3A_267 : i32
        %dma_start3A_269 = arith.constant 2 : i32
        %dma_start3A_270 = arith.constant 0 : i32
        %dma_start3A_271 = tpu.memref_slice %arg5[%dma_start3A_269, %dma_start3A_270] : memref<4x128xi32, #tpu.memory_space<vmem>> -> memref<1x128xi32, #tpu.memory_space<vmem>>
        %dma_start3A_272 = tpu.memref_squeeze %dma_start3A_271 : memref<1x128xi32, #tpu.memory_space<vmem>> -> memref<128xi32, #tpu.memory_space<vmem>>
        %dma_start3A_273 = tpu.memref_slice %arg2[%add3A_268] : memref<819200xi32, #tpu.memory_space<hbm>> -> memref<128xi32, #tpu.memory_space<hbm>>
        %dma_start3A_274 = arith.constant 0 : i32
        %dma_start3A_275 = tpu.memref_slice %arg5[%dma_start3A_269, %dma_start3A_274] : memref<4x128xi32, #tpu.memory_space<vmem>> -> memref<1x128xi32, #tpu.memory_space<vmem>>
        %dma_start3A_276 = tpu.memref_squeeze %dma_start3A_275 : memref<1x128xi32, #tpu.memory_space<vmem>> -> memref<128xi32, #tpu.memory_space<vmem>>
        %dma_start3A_277 = tpu.memref_slice %arg2[%add3A_268] : memref<819200xi32, #tpu.memory_space<hbm>> -> memref<128xi32, #tpu.memory_space<hbm>>
        tpu.enqueue_dma source(%dma_start3A_277 : memref<128xi32, #tpu.memory_space<hbm>>) target(%dma_start3A_276 : memref<128xi32, #tpu.memory_space<vmem>>) target_semaphore(%arg10 : memref<!tpu.dma_semaphore, #tpu.memory_space<semaphore_mem>>)
      } else {
      }
      %gt3A_124 = arith.constant 0 : i32
      %gt3A_125 = arith.cmpi sgt, %add3A_91, %gt3A_124 : i32
      %convert_element_type3A_126 = arith.extui %gt3A_125 : i1 to i32
      %cond3A_127 = arith.constant 0 : i32
      %cond3A_128 = arith.cmpi ne, %convert_element_type3A_126, %cond3A_127 : i32
      scf.if %cond3A_128 {
        %dma_wait3A_264 = arith.constant 3 : i32
        %dma_wait3A_265 = arith.constant 1 : i32
        %dma_wait3A_266 = arith.constant 0 : i32
        %dma_wait3A_267 = arith.constant 0 : i32
        %dma_wait3A_268 = tpu.memref_slice %arg6[%dma_wait3A_265, %dma_wait3A_266, %dma_wait3A_267] : memref<2x128x128xf32, #tpu.memory_space<vmem>> -> memref<1x128x128xf32, #tpu.memory_space<vmem>>
        %dma_wait3A_269 = tpu.memref_squeeze %dma_wait3A_268 : memref<1x128x128xf32, #tpu.memory_space<vmem>> -> memref<128x128xf32, #tpu.memory_space<vmem>>
        %dma_wait3A_270 = arith.constant 0 : i32
        %dma_wait3A_271 = tpu.memref_slice %arg5[%dma_wait3A_264, %dma_wait3A_270] : memref<4x128xi32, #tpu.memory_space<vmem>> -> memref<1x128xi32, #tpu.memory_space<vmem>>
        %dma_wait3A_272 = tpu.memref_squeeze %dma_wait3A_271 : memref<1x128xi32, #tpu.memory_space<vmem>> -> memref<128xi32, #tpu.memory_space<vmem>>
        %dma_wait3A_273 = arith.constant 0 : i32
        %dma_wait3A_274 = arith.constant 0 : i32
        %dma_wait3A_275 = tpu.memref_slice %arg3[%dma_wait3A_273, %dma_wait3A_274] : memref<1000000x128xf32, #tpu.memory_space<hbm>> -> memref<1000000x128xf32, #tpu.memory_space<hbm>>
        tpu.wait_indirect_dma semaphore(%arg13 : memref<!tpu.dma_semaphore, #tpu.memory_space<semaphore_mem>>) src(%dma_wait3A_275 : memref<1000000x128xf32, #tpu.memory_space<hbm>>) dst(%dma_wait3A_269 : memref<128x128xf32, #tpu.memory_space<vmem>>)
        %parallel_loop3A_276 = arith.constant 0 : i32
        %parallel_loop3A_277 = arith.constant 128 : i32
        %parallel_loop3A_278 = arith.constant 1 : i32
        scf.for %parallel_loop3A_296 = %parallel_loop3A_276 to %parallel_loop3A_277 step %parallel_loop3A_278  : i32 {
          %parallel_loop3A_297 = arith.constant 1 : i32
          %parallel_loop3A_298 = arith.index_cast %parallel_loop3A_297 : i32 to index
          %parallel_loop3A_299 = arith.index_cast %parallel_loop3A_296 : i32 to index
          %parallel_loop3A_300 = arith.constant 0 : index
          %parallel_loop3A_301 = tpu.vector_load %arg6[%parallel_loop3A_298, %parallel_loop3A_299, %parallel_loop3A_300] {strides = array<i32>} : memref<2x128x128xf32, #tpu.memory_space<vmem>>, vector<1x1x16xf32>,
          %parallel_loop3A_302 = vector.shape_cast %parallel_loop3A_301 : vector<1x1x16xf32> to vector<16xf32>
          %parallel_loop3A_303 = arith.constant 8.000000e+00 : f32
          %parallel_loop3A_304 = vector.broadcast %parallel_loop3A_303 : f32 to vector<16xf32>
          %parallel_loop3A_305 = arith.mulf %parallel_loop3A_302, %parallel_loop3A_304 : vector<16xf32>
          %parallel_loop3A_306 = arith.constant 1 : i32
          %parallel_loop3A_307 = arith.index_cast %parallel_loop3A_306 : i32 to index
          %parallel_loop3A_308 = arith.index_cast %parallel_loop3A_296 : i32 to index
          %parallel_loop3A_309 = arith.constant 0 : index
          %parallel_loop3A_310 = tpu.vector_load %arg7[%parallel_loop3A_307, %parallel_loop3A_308, %parallel_loop3A_309] {strides = array<i32>} : memref<2x128x64xf32, #tpu.memory_space<vmem>>, vector<1x1x16xf32>,
          %parallel_loop3A_311 = vector.shape_cast %parallel_loop3A_310 : vector<1x1x16xf32> to vector<16xf32>
          %parallel_loop3A_312 = vector.shape_cast %parallel_loop3A_305 : vector<16xf32> to vector<1x1x16xf32>
          tpu.vector_store %arg7[%parallel_loop3A_307, %parallel_loop3A_308, %parallel_loop3A_309], %parallel_loop3A_312 {strides = array<i32>} : memref<2x128x64xf32, #tpu.memory_space<vmem>>, vector<1x1x16xf32>,
          %parallel_loop3A_313 = arith.constant 1 : i32
          %parallel_loop3A_314 = arith.index_cast %parallel_loop3A_313 : i32 to index
          %parallel_loop3A_315 = arith.index_cast %parallel_loop3A_296 : i32 to index
          %parallel_loop3A_316 = arith.constant 16 : index
          %parallel_loop3A_317 = tpu.vector_load %arg6[%parallel_loop3A_314, %parallel_loop3A_315, %parallel_loop3A_316] {strides = array<i32>} : memref<2x128x128xf32, #tpu.memory_space<vmem>>, vector<1x1x16xf32>,
          %parallel_loop3A_318 = vector.shape_cast %parallel_loop3A_317 : vector<1x1x16xf32> to vector<16xf32>
          %parallel_loop3A_319 = arith.constant 8.000000e+00 : f32
          %parallel_loop3A_320 = vector.broadcast %parallel_loop3A_319 : f32 to vector<16xf32>
          %parallel_loop3A_321 = arith.mulf %parallel_loop3A_318, %parallel_loop3A_320 : vector<16xf32>
          %parallel_loop3A_322 = arith.constant 1 : i32
          %parallel_loop3A_323 = arith.index_cast %parallel_loop3A_322 : i32 to index
          %parallel_loop3A_324 = arith.index_cast %parallel_loop3A_296 : i32 to index
          %parallel_loop3A_325 = arith.constant 16 : index
          %parallel_loop3A_326 = tpu.vector_load %arg7[%parallel_loop3A_323, %parallel_loop3A_324, %parallel_loop3A_325] {strides = array<i32>} : memref<2x128x64xf32, #tpu.memory_space<vmem>>, vector<1x1x16xf32>,
          %parallel_loop3A_327 = vector.shape_cast %parallel_loop3A_326 : vector<1x1x16xf32> to vector<16xf32>
          %parallel_loop3A_328 = vector.shape_cast %parallel_loop3A_321 : vector<16xf32> to vector<1x1x16xf32>
          tpu.vector_store %arg7[%parallel_loop3A_323, %parallel_loop3A_324, %parallel_loop3A_325], %parallel_loop3A_328 {strides = array<i32>} : memref<2x128x64xf32, #tpu.memory_space<vmem>>, vector<1x1x16xf32>,
          %parallel_loop3A_329 = arith.constant 1 : i32
          %parallel_loop3A_330 = arith.index_cast %parallel_loop3A_329 : i32 to index
          %parallel_loop3A_331 = arith.index_cast %parallel_loop3A_296 : i32 to index
          %parallel_loop3A_332 = arith.constant 32 : index
          %parallel_loop3A_333 = tpu.vector_load %arg6[%parallel_loop3A_330, %parallel_loop3A_331, %parallel_loop3A_332] {strides = array<i32>} : memref<2x128x128xf32, #tpu.memory_space<vmem>>, vector<1x1x16xf32>,
          %parallel_loop3A_334 = vector.shape_cast %parallel_loop3A_333 : vector<1x1x16xf32> to vector<16xf32>
          %parallel_loop3A_335 = arith.constant 8.000000e+00 : f32
          %parallel_loop3A_336 = vector.broadcast %parallel_loop3A_335 : f32 to vector<16xf32>
          %parallel_loop3A_337 = arith.mulf %parallel_loop3A_334, %parallel_loop3A_336 : vector<16xf32>
          %parallel_loop3A_338 = arith.constant 1 : i32
          %parallel_loop3A_339 = arith.index_cast %parallel_loop3A_338 : i32 to index
          %parallel_loop3A_340 = arith.index_cast %parallel_loop3A_296 : i32 to index
          %parallel_loop3A_341 = arith.constant 32 : index
          %parallel_loop3A_342 = tpu.vector_load %arg7[%parallel_loop3A_339, %parallel_loop3A_340, %parallel_loop3A_341] {strides = array<i32>} : memref<2x128x64xf32, #tpu.memory_space<vmem>>, vector<1x1x16xf32>,
          %parallel_loop3A_343 = vector.shape_cast %parallel_loop3A_342 : vector<1x1x16xf32> to vector<16xf32>
          %parallel_loop3A_344 = vector.shape_cast %parallel_loop3A_337 : vector<16xf32> to vector<1x1x16xf32>
          tpu.vector_store %arg7[%parallel_loop3A_339, %parallel_loop3A_340, %parallel_loop3A_341], %parallel_loop3A_344 {strides = array<i32>} : memref<2x128x64xf32, #tpu.memory_space<vmem>>, vector<1x1x16xf32>,
          %parallel_loop3A_345 = arith.constant 1 : i32
          %parallel_loop3A_346 = arith.index_cast %parallel_loop3A_345 : i32 to index
          %parallel_loop3A_347 = arith.index_cast %parallel_loop3A_296 : i32 to index
          %parallel_loop3A_348 = arith.constant 48 : index
          %parallel_loop3A_349 = tpu.vector_load %arg6[%parallel_loop3A_346, %parallel_loop3A_347, %parallel_loop3A_348] {strides = array<i32>} : memref<2x128x128xf32, #tpu.memory_space<vmem>>, vector<1x1x16xf32>,
          %parallel_loop3A_350 = vector.shape_cast %parallel_loop3A_349 : vector<1x1x16xf32> to vector<16xf32>
          %parallel_loop3A_351 = arith.constant 8.000000e+00 : f32
          %parallel_loop3A_352 = vector.broadcast %parallel_loop3A_351 : f32 to vector<16xf32>
          %parallel_loop3A_353 = arith.mulf %parallel_loop3A_350, %parallel_loop3A_352 : vector<16xf32>
          %parallel_loop3A_354 = arith.constant 1 : i32
          %parallel_loop3A_355 = arith.index_cast %parallel_loop3A_354 : i32 to index
          %parallel_loop3A_356 = arith.index_cast %parallel_loop3A_296 : i32 to index
          %parallel_loop3A_357 = arith.constant 48 : index
          %parallel_loop3A_358 = tpu.vector_load %arg7[%parallel_loop3A_355, %parallel_loop3A_356, %parallel_loop3A_357] {strides = array<i32>} : memref<2x128x64xf32, #tpu.memory_space<vmem>>, vector<1x1x16xf32>,
          %parallel_loop3A_359 = vector.shape_cast %parallel_loop3A_358 : vector<1x1x16xf32> to vector<16xf32>
          %parallel_loop3A_360 = vector.shape_cast %parallel_loop3A_353 : vector<16xf32> to vector<1x1x16xf32>
          tpu.vector_store %arg7[%parallel_loop3A_355, %parallel_loop3A_356, %parallel_loop3A_357], %parallel_loop3A_360 {strides = array<i32>} : memref<2x128x64xf32, #tpu.memory_space<vmem>>, vector<1x1x16xf32>,
        } {sc.loop_unroll_factor = 8 : i64, sc.parallel_access}
        %sub3A = arith.constant 1 : i32
        %sub3A_279 = arith.subi %add3A_91, %sub3A : i32
        %mul3A_280 = arith.constant 128 : i32
        %mul3A_281 = arith.muli %sub3A_279, %mul3A_280 : i32
        %add3A_282 = arith.addi %mul3A_2, %mul3A_281 : i32
        %dma_start3A_283 = arith.constant 1 : i32
        %dma_start3A_284 = arith.constant 0 : i32
        %dma_start3A_285 = arith.constant 0 : i32
        %dma_start3A_286 = tpu.memref_slice %arg7[%dma_start3A_283, %dma_start3A_284, %dma_start3A_285] : memref<2x128x64xf32, #tpu.memory_space<vmem>> -> memref<1x128x64xf32, #tpu.memory_space<vmem>>
        %dma_start3A_287 = tpu.memref_squeeze %dma_start3A_286 : memref<1x128x64xf32, #tpu.memory_space<vmem>> -> memref<128x64xf32, #tpu.memory_space<vmem>>
        %dma_start3A_288 = arith.constant 0 : i32
        %dma_start3A_289 = tpu.memref_slice %arg4[%add3A_282, %dma_start3A_288] : memref<819200x64xf32, #tpu.memory_space<hbm>> -> memref<128x64xf32, #tpu.memory_space<hbm>>
        %dma_start3A_290 = arith.constant 0 : i32
        %dma_start3A_291 = tpu.memref_slice %arg4[%add3A_282, %dma_start3A_290] : memref<819200x64xf32, #tpu.memory_space<hbm>> -> memref<128x64xf32, #tpu.memory_space<hbm>>
        %dma_start3A_292 = arith.constant 0 : i32
        %dma_start3A_293 = arith.constant 0 : i32
        %dma_start3A_294 = tpu.memref_slice %arg7[%dma_start3A_283, %dma_start3A_292, %dma_start3A_293] : memref<2x128x64xf32, #tpu.memory_space<vmem>> -> memref<1x128x64xf32, #tpu.memory_space<vmem>>
        %dma_start3A_295 = tpu.memref_squeeze %dma_start3A_294 : memref<1x128x64xf32, #tpu.memory_space<vmem>> -> memref<128x64xf32, #tpu.memory_space<vmem>>
        tpu.enqueue_dma source(%dma_start3A_295 : memref<128x64xf32, #tpu.memory_space<vmem>>) target(%dma_start3A_291 : memref<128x64xf32, #tpu.memory_space<hbm>>) target_semaphore(%arg15 : memref<!tpu.dma_semaphore, #tpu.memory_space<semaphore_mem>>)
      } else {
      }
      %mul3A_129 = arith.constant 4 : i32
      %mul3A_130 = arith.muli %scan3A_87, %mul3A_129 : i32
      %add3A_131 = arith.constant 1 : i32
      %add3A_132 = arith.addi %mul3A_130, %add3A_131 : i32
      %mul3A_133 = arith.constant 128 : i32
      %mul3A_134 = arith.muli %add3A_132, %mul3A_133 : i32
      %add3A_135 = arith.addi %mul3A_2, %mul3A_134 : i32
      %dma_wait3A_136 = arith.constant 1 : i32
      %dma_wait3A_137 = arith.constant 0 : i32
      %dma_wait3A_138 = tpu.memref_slice %arg5[%dma_wait3A_136, %dma_wait3A_137] : memref<4x128xi32, #tpu.memory_space<vmem>> -> memref<1x128xi32, #tpu.memory_space<vmem>>
      %dma_wait3A_139 = tpu.memref_squeeze %dma_wait3A_138 : memref<1x128xi32, #tpu.memory_space<vmem>> -> memref<128xi32, #tpu.memory_space<vmem>>
      %dma_wait3A_140 = tpu.memref_slice %arg2[%add3A_135] : memref<819200xi32, #tpu.memory_space<hbm>> -> memref<128xi32, #tpu.memory_space<hbm>>
      %dma_wait3A_141 = arith.constant 0 : i32
      %dma_wait3A_142 = tpu.memref_slice %arg5[%dma_wait3A_136, %dma_wait3A_141] : memref<4x128xi32, #tpu.memory_space<vmem>> -> memref<1x128xi32, #tpu.memory_space<vmem>>
      %dma_wait3A_143 = tpu.memref_squeeze %dma_wait3A_142 : memref<1x128xi32, #tpu.memory_space<vmem>> -> memref<128xi32, #tpu.memory_space<vmem>>
      %dma_wait3A_144 = tpu.memref_slice %arg2[%add3A_135] : memref<819200xi32, #tpu.memory_space<hbm>> -> memref<128xi32, #tpu.memory_space<hbm>>
      tpu.wait_dma2 semaphore(%arg9 : memref<!tpu.dma_semaphore, #tpu.memory_space<semaphore_mem>>) src(%dma_wait3A_144 : memref<128xi32, #tpu.memory_space<hbm>>) dst(%dma_wait3A_143 : memref<128xi32, #tpu.memory_space<vmem>>)
      %gt3A_145 = arith.constant 1 : i32
      %gt3A_146 = arith.cmpi sgt, %add3A_132, %gt3A_145 : i32
      %convert_element_type3A_147 = arith.extui %gt3A_146 : i1 to i32
      %cond3A_148 = arith.constant 0 : i32
      %cond3A_149 = arith.cmpi ne, %convert_element_type3A_147, %cond3A_148 : i32
      scf.if %cond3A_149 {
        %sub3A = arith.constant 2 : i32
        %sub3A_264 = arith.subi %add3A_132, %sub3A : i32
        %mul3A_265 = arith.constant 128 : i32
        %mul3A_266 = arith.muli %sub3A_264, %mul3A_265 : i32
        %add3A_267 = arith.addi %mul3A_2, %mul3A_266 : i32
        %dma_wait3A_268 = arith.constant 1 : i32
        %dma_wait3A_269 = arith.constant 0 : i32
        %dma_wait3A_270 = arith.constant 0 : i32
        %dma_wait3A_271 = tpu.memref_slice %arg7[%dma_wait3A_268, %dma_wait3A_269, %dma_wait3A_270] : memref<2x128x64xf32, #tpu.memory_space<vmem>> -> memref<1x128x64xf32, #tpu.memory_space<vmem>>
        %dma_wait3A_272 = tpu.memref_squeeze %dma_wait3A_271 : memref<1x128x64xf32, #tpu.memory_space<vmem>> -> memref<128x64xf32, #tpu.memory_space<vmem>>
        %dma_wait3A_273 = arith.constant 0 : i32
        %dma_wait3A_274 = tpu.memref_slice %arg4[%add3A_267, %dma_wait3A_273] : memref<819200x64xf32, #tpu.memory_space<hbm>> -> memref<128x64xf32, #tpu.memory_space<hbm>>
        %dma_wait3A_275 = arith.constant 0 : i32
        %dma_wait3A_276 = tpu.memref_slice %arg4[%add3A_267, %dma_wait3A_275] : memref<819200x64xf32, #tpu.memory_space<hbm>> -> memref<128x64xf32, #tpu.memory_space<hbm>>
        %dma_wait3A_277 = arith.constant 0 : i32
        %dma_wait3A_278 = arith.constant 0 : i32
        %dma_wait3A_279 = tpu.memref_slice %arg7[%dma_wait3A_268, %dma_wait3A_277, %dma_wait3A_278] : memref<2x128x64xf32, #tpu.memory_space<vmem>> -> memref<1x128x64xf32, #tpu.memory_space<vmem>>
        %dma_wait3A_280 = tpu.memref_squeeze %dma_wait3A_279 : memref<1x128x64xf32, #tpu.memory_space<vmem>> -> memref<128x64xf32, #tpu.memory_space<vmem>>
        tpu.wait_dma2 semaphore(%arg15 : memref<!tpu.dma_semaphore, #tpu.memory_space<semaphore_mem>>) src(%dma_wait3A_280 : memref<128x64xf32, #tpu.memory_space<vmem>>) dst(%dma_wait3A_276 : memref<128x64xf32, #tpu.memory_space<hbm>>)
      } else {
      }
      %dma_start3A_150 = arith.constant 1 : i32
      %dma_start3A_151 = arith.constant 1 : i32
      %dma_start3A_152 = arith.constant 0 : i32
      %dma_start3A_153 = arith.constant 0 : i32
      %dma_start3A_154 = tpu.memref_slice %arg6[%dma_start3A_151, %dma_start3A_152, %dma_start3A_153] : memref<2x128x128xf32, #tpu.memory_space<vmem>> -> memref<1x128x128xf32, #tpu.memory_space<vmem>>
      %dma_start3A_155 = tpu.memref_squeeze %dma_start3A_154 : memref<1x128x128xf32, #tpu.memory_space<vmem>> -> memref<128x128xf32, #tpu.memory_space<vmem>>
      %dma_start3A_156 = arith.constant 0 : i32
      %dma_start3A_157 = tpu.memref_slice %arg5[%dma_start3A_150, %dma_start3A_156] : memref<4x128xi32, #tpu.memory_space<vmem>> -> memref<1x128xi32, #tpu.memory_space<vmem>>
      %dma_start3A_158 = tpu.memref_squeeze %dma_start3A_157 : memref<1x128xi32, #tpu.memory_space<vmem>> -> memref<128xi32, #tpu.memory_space<vmem>>
      %dma_start3A_159 = arith.constant 0 : i32
      %dma_start3A_160 = arith.constant 0 : i32
      %dma_start3A_161 = tpu.memref_slice %arg3[%dma_start3A_159, %dma_start3A_160] : memref<1000000x128xf32, #tpu.memory_space<hbm>> -> memref<1000000x128xf32, #tpu.memory_space<hbm>>
      tpu.enqueue_indirect_dma source(%dma_start3A_161 : memref<1000000x128xf32, #tpu.memory_space<hbm>>) target(%dma_start3A_155 : memref<128x128xf32, #tpu.memory_space<vmem>>) offsets(%dma_start3A_158 : memref<128xi32, #tpu.memory_space<vmem>>) semaphore(%arg13 : memref<!tpu.dma_semaphore, #tpu.memory_space<semaphore_mem>>)
      %add3A_162 = arith.constant 2 : i32
      %add3A_163 = arith.addi %add3A_132, %add3A_162 : i32
      %lt3A_164 = arith.constant 200 : i32
      %lt3A_165 = arith.cmpi slt, %add3A_163, %lt3A_164 : i32
      %convert_element_type3A_166 = arith.extui %lt3A_165 : i1 to i32
      %cond3A_167 = arith.constant 0 : i32
      %cond3A_168 = arith.cmpi ne, %convert_element_type3A_166, %cond3A_167 : i32
      scf.if %cond3A_168 {
        %add3A_264 = arith.constant 2 : i32
        %add3A_265 = arith.addi %add3A_132, %add3A_264 : i32
        %mul3A_266 = arith.constant 128 : i32
        %mul3A_267 = arith.muli %add3A_265, %mul3A_266 : i32
        %add3A_268 = arith.addi %mul3A_2, %mul3A_267 : i32
        %dma_start3A_269 = arith.constant 3 : i32
        %dma_start3A_270 = arith.constant 0 : i32
        %dma_start3A_271 = tpu.memref_slice %arg5[%dma_start3A_269, %dma_start3A_270] : memref<4x128xi32, #tpu.memory_space<vmem>> -> memref<1x128xi32, #tpu.memory_space<vmem>>
        %dma_start3A_272 = tpu.memref_squeeze %dma_start3A_271 : memref<1x128xi32, #tpu.memory_space<vmem>> -> memref<128xi32, #tpu.memory_space<vmem>>
        %dma_start3A_273 = tpu.memref_slice %arg2[%add3A_268] : memref<819200xi32, #tpu.memory_space<hbm>> -> memref<128xi32, #tpu.memory_space<hbm>>
        %dma_start3A_274 = arith.constant 0 : i32
        %dma_start3A_275 = tpu.memref_slice %arg5[%dma_start3A_269, %dma_start3A_274] : memref<4x128xi32, #tpu.memory_space<vmem>> -> memref<1x128xi32, #tpu.memory_space<vmem>>
        %dma_start3A_276 = tpu.memref_squeeze %dma_start3A_275 : memref<1x128xi32, #tpu.memory_space<vmem>> -> memref<128xi32, #tpu.memory_space<vmem>>
        %dma_start3A_277 = tpu.memref_slice %arg2[%add3A_268] : memref<819200xi32, #tpu.memory_space<hbm>> -> memref<128xi32, #tpu.memory_space<hbm>>
        tpu.enqueue_dma source(%dma_start3A_277 : memref<128xi32, #tpu.memory_space<hbm>>) target(%dma_start3A_276 : memref<128xi32, #tpu.memory_space<vmem>>) target_semaphore(%arg11 : memref<!tpu.dma_semaphore, #tpu.memory_space<semaphore_mem>>)
      } else {
      }
      %gt3A_169 = arith.constant 0 : i32
      %gt3A_170 = arith.cmpi sgt, %add3A_132, %gt3A_169 : i32
      %convert_element_type3A_171 = arith.extui %gt3A_170 : i1 to i32
      %cond3A_172 = arith.constant 0 : i32
      %cond3A_173 = arith.cmpi ne, %convert_element_type3A_171, %cond3A_172 : i32
      scf.if %cond3A_173 {
        %dma_wait3A_264 = arith.constant 0 : i32
        %dma_wait3A_265 = arith.constant 0 : i32
        %dma_wait3A_266 = arith.constant 0 : i32
        %dma_wait3A_267 = arith.constant 0 : i32
        %dma_wait3A_268 = tpu.memref_slice %arg6[%dma_wait3A_265, %dma_wait3A_266, %dma_wait3A_267] : memref<2x128x128xf32, #tpu.memory_space<vmem>> -> memref<1x128x128xf32, #tpu.memory_space<vmem>>
        %dma_wait3A_269 = tpu.memref_squeeze %dma_wait3A_268 : memref<1x128x128xf32, #tpu.memory_space<vmem>> -> memref<128x128xf32, #tpu.memory_space<vmem>>
        %dma_wait3A_270 = arith.constant 0 : i32
        %dma_wait3A_271 = tpu.memref_slice %arg5[%dma_wait3A_264, %dma_wait3A_270] : memref<4x128xi32, #tpu.memory_space<vmem>> -> memref<1x128xi32, #tpu.memory_space<vmem>>
        %dma_wait3A_272 = tpu.memref_squeeze %dma_wait3A_271 : memref<1x128xi32, #tpu.memory_space<vmem>> -> memref<128xi32, #tpu.memory_space<vmem>>
        %dma_wait3A_273 = arith.constant 0 : i32
        %dma_wait3A_274 = arith.constant 0 : i32
        %dma_wait3A_275 = tpu.memref_slice %arg3[%dma_wait3A_273, %dma_wait3A_274] : memref<1000000x128xf32, #tpu.memory_space<hbm>> -> memref<1000000x128xf32, #tpu.memory_space<hbm>>
        tpu.wait_indirect_dma semaphore(%arg12 : memref<!tpu.dma_semaphore, #tpu.memory_space<semaphore_mem>>) src(%dma_wait3A_275 : memref<1000000x128xf32, #tpu.memory_space<hbm>>) dst(%dma_wait3A_269 : memref<128x128xf32, #tpu.memory_space<vmem>>)
        %parallel_loop3A_276 = arith.constant 0 : i32
        %parallel_loop3A_277 = arith.constant 128 : i32
        %parallel_loop3A_278 = arith.constant 1 : i32
        scf.for %parallel_loop3A_296 = %parallel_loop3A_276 to %parallel_loop3A_277 step %parallel_loop3A_278  : i32 {
          %parallel_loop3A_297 = arith.constant 0 : i32
          %parallel_loop3A_298 = arith.index_cast %parallel_loop3A_297 : i32 to index
          %parallel_loop3A_299 = arith.index_cast %parallel_loop3A_296 : i32 to index
          %parallel_loop3A_300 = arith.constant 0 : index
          %parallel_loop3A_301 = tpu.vector_load %arg6[%parallel_loop3A_298, %parallel_loop3A_299, %parallel_loop3A_300] {strides = array<i32>} : memref<2x128x128xf32, #tpu.memory_space<vmem>>, vector<1x1x16xf32>,
          %parallel_loop3A_302 = vector.shape_cast %parallel_loop3A_301 : vector<1x1x16xf32> to vector<16xf32>
          %parallel_loop3A_303 = arith.constant 8.000000e+00 : f32
          %parallel_loop3A_304 = vector.broadcast %parallel_loop3A_303 : f32 to vector<16xf32>
          %parallel_loop3A_305 = arith.mulf %parallel_loop3A_302, %parallel_loop3A_304 : vector<16xf32>
          %parallel_loop3A_306 = arith.constant 0 : i32
          %parallel_loop3A_307 = arith.index_cast %parallel_loop3A_306 : i32 to index
          %parallel_loop3A_308 = arith.index_cast %parallel_loop3A_296 : i32 to index
          %parallel_loop3A_309 = arith.constant 0 : index
          %parallel_loop3A_310 = tpu.vector_load %arg7[%parallel_loop3A_307, %parallel_loop3A_308, %parallel_loop3A_309] {strides = array<i32>} : memref<2x128x64xf32, #tpu.memory_space<vmem>>, vector<1x1x16xf32>,
          %parallel_loop3A_311 = vector.shape_cast %parallel_loop3A_310 : vector<1x1x16xf32> to vector<16xf32>
          %parallel_loop3A_312 = vector.shape_cast %parallel_loop3A_305 : vector<16xf32> to vector<1x1x16xf32>
          tpu.vector_store %arg7[%parallel_loop3A_307, %parallel_loop3A_308, %parallel_loop3A_309], %parallel_loop3A_312 {strides = array<i32>} : memref<2x128x64xf32, #tpu.memory_space<vmem>>, vector<1x1x16xf32>,
          %parallel_loop3A_313 = arith.constant 0 : i32
          %parallel_loop3A_314 = arith.index_cast %parallel_loop3A_313 : i32 to index
          %parallel_loop3A_315 = arith.index_cast %parallel_loop3A_296 : i32 to index
          %parallel_loop3A_316 = arith.constant 16 : index
          %parallel_loop3A_317 = tpu.vector_load %arg6[%parallel_loop3A_314, %parallel_loop3A_315, %parallel_loop3A_316] {strides = array<i32>} : memref<2x128x128xf32, #tpu.memory_space<vmem>>, vector<1x1x16xf32>,
          %parallel_loop3A_318 = vector.shape_cast %parallel_loop3A_317 : vector<1x1x16xf32> to vector<16xf32>
          %parallel_loop3A_319 = arith.constant 8.000000e+00 : f32
          %parallel_loop3A_320 = vector.broadcast %parallel_loop3A_319 : f32 to vector<16xf32>
          %parallel_loop3A_321 = arith.mulf %parallel_loop3A_318, %parallel_loop3A_320 : vector<16xf32>
          %parallel_loop3A_322 = arith.constant 0 : i32
          %parallel_loop3A_323 = arith.index_cast %parallel_loop3A_322 : i32 to index
          %parallel_loop3A_324 = arith.index_cast %parallel_loop3A_296 : i32 to index
          %parallel_loop3A_325 = arith.constant 16 : index
          %parallel_loop3A_326 = tpu.vector_load %arg7[%parallel_loop3A_323, %parallel_loop3A_324, %parallel_loop3A_325] {strides = array<i32>} : memref<2x128x64xf32, #tpu.memory_space<vmem>>, vector<1x1x16xf32>,
          %parallel_loop3A_327 = vector.shape_cast %parallel_loop3A_326 : vector<1x1x16xf32> to vector<16xf32>
          %parallel_loop3A_328 = vector.shape_cast %parallel_loop3A_321 : vector<16xf32> to vector<1x1x16xf32>
          tpu.vector_store %arg7[%parallel_loop3A_323, %parallel_loop3A_324, %parallel_loop3A_325], %parallel_loop3A_328 {strides = array<i32>} : memref<2x128x64xf32, #tpu.memory_space<vmem>>, vector<1x1x16xf32>,
          %parallel_loop3A_329 = arith.constant 0 : i32
          %parallel_loop3A_330 = arith.index_cast %parallel_loop3A_329 : i32 to index
          %parallel_loop3A_331 = arith.index_cast %parallel_loop3A_296 : i32 to index
          %parallel_loop3A_332 = arith.constant 32 : index
          %parallel_loop3A_333 = tpu.vector_load %arg6[%parallel_loop3A_330, %parallel_loop3A_331, %parallel_loop3A_332] {strides = array<i32>} : memref<2x128x128xf32, #tpu.memory_space<vmem>>, vector<1x1x16xf32>,
          %parallel_loop3A_334 = vector.shape_cast %parallel_loop3A_333 : vector<1x1x16xf32> to vector<16xf32>
          %parallel_loop3A_335 = arith.constant 8.000000e+00 : f32
          %parallel_loop3A_336 = vector.broadcast %parallel_loop3A_335 : f32 to vector<16xf32>
          %parallel_loop3A_337 = arith.mulf %parallel_loop3A_334, %parallel_loop3A_336 : vector<16xf32>
          %parallel_loop3A_338 = arith.constant 0 : i32
          %parallel_loop3A_339 = arith.index_cast %parallel_loop3A_338 : i32 to index
          %parallel_loop3A_340 = arith.index_cast %parallel_loop3A_296 : i32 to index
          %parallel_loop3A_341 = arith.constant 32 : index
          %parallel_loop3A_342 = tpu.vector_load %arg7[%parallel_loop3A_339, %parallel_loop3A_340, %parallel_loop3A_341] {strides = array<i32>} : memref<2x128x64xf32, #tpu.memory_space<vmem>>, vector<1x1x16xf32>,
          %parallel_loop3A_343 = vector.shape_cast %parallel_loop3A_342 : vector<1x1x16xf32> to vector<16xf32>
          %parallel_loop3A_344 = vector.shape_cast %parallel_loop3A_337 : vector<16xf32> to vector<1x1x16xf32>
          tpu.vector_store %arg7[%parallel_loop3A_339, %parallel_loop3A_340, %parallel_loop3A_341], %parallel_loop3A_344 {strides = array<i32>} : memref<2x128x64xf32, #tpu.memory_space<vmem>>, vector<1x1x16xf32>,
          %parallel_loop3A_345 = arith.constant 0 : i32
          %parallel_loop3A_346 = arith.index_cast %parallel_loop3A_345 : i32 to index
          %parallel_loop3A_347 = arith.index_cast %parallel_loop3A_296 : i32 to index
          %parallel_loop3A_348 = arith.constant 48 : index
          %parallel_loop3A_349 = tpu.vector_load %arg6[%parallel_loop3A_346, %parallel_loop3A_347, %parallel_loop3A_348] {strides = array<i32>} : memref<2x128x128xf32, #tpu.memory_space<vmem>>, vector<1x1x16xf32>,
          %parallel_loop3A_350 = vector.shape_cast %parallel_loop3A_349 : vector<1x1x16xf32> to vector<16xf32>
          %parallel_loop3A_351 = arith.constant 8.000000e+00 : f32
          %parallel_loop3A_352 = vector.broadcast %parallel_loop3A_351 : f32 to vector<16xf32>
          %parallel_loop3A_353 = arith.mulf %parallel_loop3A_350, %parallel_loop3A_352 : vector<16xf32>
          %parallel_loop3A_354 = arith.constant 0 : i32
          %parallel_loop3A_355 = arith.index_cast %parallel_loop3A_354 : i32 to index
          %parallel_loop3A_356 = arith.index_cast %parallel_loop3A_296 : i32 to index
          %parallel_loop3A_357 = arith.constant 48 : index
          %parallel_loop3A_358 = tpu.vector_load %arg7[%parallel_loop3A_355, %parallel_loop3A_356, %parallel_loop3A_357] {strides = array<i32>} : memref<2x128x64xf32, #tpu.memory_space<vmem>>, vector<1x1x16xf32>,
          %parallel_loop3A_359 = vector.shape_cast %parallel_loop3A_358 : vector<1x1x16xf32> to vector<16xf32>
          %parallel_loop3A_360 = vector.shape_cast %parallel_loop3A_353 : vector<16xf32> to vector<1x1x16xf32>
          tpu.vector_store %arg7[%parallel_loop3A_355, %parallel_loop3A_356, %parallel_loop3A_357], %parallel_loop3A_360 {strides = array<i32>} : memref<2x128x64xf32, #tpu.memory_space<vmem>>, vector<1x1x16xf32>,
        } {sc.loop_unroll_factor = 8 : i64, sc.parallel_access}
        %sub3A = arith.constant 1 : i32
        %sub3A_279 = arith.subi %add3A_132, %sub3A : i32
        %mul3A_280 = arith.constant 128 : i32
        %mul3A_281 = arith.muli %sub3A_279, %mul3A_280 : i32
        %add3A_282 = arith.addi %mul3A_2, %mul3A_281 : i32
        %dma_start3A_283 = arith.constant 0 : i32
        %dma_start3A_284 = arith.constant 0 : i32
        %dma_start3A_285 = arith.constant 0 : i32
        %dma_start3A_286 = tpu.memref_slice %arg7[%dma_start3A_283, %dma_start3A_284, %dma_start3A_285] : memref<2x128x64xf32, #tpu.memory_space<vmem>> -> memref<1x128x64xf32, #tpu.memory_space<vmem>>
        %dma_start3A_287 = tpu.memref_squeeze %dma_start3A_286 : memref<1x128x64xf32, #tpu.memory_space<vmem>> -> memref<128x64xf32, #tpu.memory_space<vmem>>
        %dma_start3A_288 = arith.constant 0 : i32
        %dma_start3A_289 = tpu.memref_slice %arg4[%add3A_282, %dma_start3A_288] : memref<819200x64xf32, #tpu.memory_space<hbm>> -> memref<128x64xf32, #tpu.memory_space<hbm>>
        %dma_start3A_290 = arith.constant 0 : i32
        %dma_start3A_291 = tpu.memref_slice %arg4[%add3A_282, %dma_start3A_290] : memref<819200x64xf32, #tpu.memory_space<hbm>> -> memref<128x64xf32, #tpu.memory_space<hbm>>
        %dma_start3A_292 = arith.constant 0 : i32
        %dma_start3A_293 = arith.constant 0 : i32
        %dma_start3A_294 = tpu.memref_slice %arg7[%dma_start3A_283, %dma_start3A_292, %dma_start3A_293] : memref<2x128x64xf32, #tpu.memory_space<vmem>> -> memref<1x128x64xf32, #tpu.memory_space<vmem>>
        %dma_start3A_295 = tpu.memref_squeeze %dma_start3A_294 : memref<1x128x64xf32, #tpu.memory_space<vmem>> -> memref<128x64xf32, #tpu.memory_space<vmem>>
        tpu.enqueue_dma source(%dma_start3A_295 : memref<128x64xf32, #tpu.memory_space<vmem>>) target(%dma_start3A_291 : memref<128x64xf32, #tpu.memory_space<hbm>>) target_semaphore(%arg14 : memref<!tpu.dma_semaphore, #tpu.memory_space<semaphore_mem>>)
      } else {
      }
      %mul3A_174 = arith.constant 4 : i32
      %mul3A_175 = arith.muli %scan3A_87, %mul3A_174 : i32
      %add3A_176 = arith.constant 2 : i32
      %add3A_177 = arith.addi %mul3A_175, %add3A_176 : i32
      %mul3A_178 = arith.constant 128 : i32
      %mul3A_179 = arith.muli %add3A_177, %mul3A_178 : i32
      %add3A_180 = arith.addi %mul3A_2, %mul3A_179 : i32
      %dma_wait3A_181 = arith.constant 2 : i32
      %dma_wait3A_182 = arith.constant 0 : i32
      %dma_wait3A_183 = tpu.memref_slice %arg5[%dma_wait3A_181, %dma_wait3A_182] : memref<4x128xi32, #tpu.memory_space<vmem>> -> memref<1x128xi32, #tpu.memory_space<vmem>>
      %dma_wait3A_184 = tpu.memref_squeeze %dma_wait3A_183 : memref<1x128xi32, #tpu.memory_space<vmem>> -> memref<128xi32, #tpu.memory_space<vmem>>
      %dma_wait3A_185 = tpu.memref_slice %arg2[%add3A_180] : memref<819200xi32, #tpu.memory_space<hbm>> -> memref<128xi32, #tpu.memory_space<hbm>>
      %dma_wait3A_186 = arith.constant 0 : i32
      %dma_wait3A_187 = tpu.memref_slice %arg5[%dma_wait3A_181, %dma_wait3A_186] : memref<4x128xi32, #tpu.memory_space<vmem>> -> memref<1x128xi32, #tpu.memory_space<vmem>>
      %dma_wait3A_188 = tpu.memref_squeeze %dma_wait3A_187 : memref<1x128xi32, #tpu.memory_space<vmem>> -> memref<128xi32, #tpu.memory_space<vmem>>
      %dma_wait3A_189 = tpu.memref_slice %arg2[%add3A_180] : memref<819200xi32, #tpu.memory_space<hbm>> -> memref<128xi32, #tpu.memory_space<hbm>>
      tpu.wait_dma2 semaphore(%arg10 : memref<!tpu.dma_semaphore, #tpu.memory_space<semaphore_mem>>) src(%dma_wait3A_189 : memref<128xi32, #tpu.memory_space<hbm>>) dst(%dma_wait3A_188 : memref<128xi32, #tpu.memory_space<vmem>>)
      %gt3A_190 = arith.constant 1 : i32
      %gt3A_191 = arith.cmpi sgt, %add3A_177, %gt3A_190 : i32
      %convert_element_type3A_192 = arith.extui %gt3A_191 : i1 to i32
      %cond3A_193 = arith.constant 0 : i32
      %cond3A_194 = arith.cmpi ne, %convert_element_type3A_192, %cond3A_193 : i32
      scf.if %cond3A_194 {
        %sub3A = arith.constant 2 : i32
        %sub3A_264 = arith.subi %add3A_177, %sub3A : i32
        %mul3A_265 = arith.constant 128 : i32
        %mul3A_266 = arith.muli %sub3A_264, %mul3A_265 : i32
        %add3A_267 = arith.addi %mul3A_2, %mul3A_266 : i32
        %dma_wait3A_268 = arith.constant 0 : i32
        %dma_wait3A_269 = arith.constant 0 : i32
        %dma_wait3A_270 = arith.constant 0 : i32
        %dma_wait3A_271 = tpu.memref_slice %arg7[%dma_wait3A_268, %dma_wait3A_269, %dma_wait3A_270] : memref<2x128x64xf32, #tpu.memory_space<vmem>> -> memref<1x128x64xf32, #tpu.memory_space<vmem>>
        %dma_wait3A_272 = tpu.memref_squeeze %dma_wait3A_271 : memref<1x128x64xf32, #tpu.memory_space<vmem>> -> memref<128x64xf32, #tpu.memory_space<vmem>>
        %dma_wait3A_273 = arith.constant 0 : i32
        %dma_wait3A_274 = tpu.memref_slice %arg4[%add3A_267, %dma_wait3A_273] : memref<819200x64xf32, #tpu.memory_space<hbm>> -> memref<128x64xf32, #tpu.memory_space<hbm>>
        %dma_wait3A_275 = arith.constant 0 : i32
        %dma_wait3A_276 = tpu.memref_slice %arg4[%add3A_267, %dma_wait3A_275] : memref<819200x64xf32, #tpu.memory_space<hbm>> -> memref<128x64xf32, #tpu.memory_space<hbm>>
        %dma_wait3A_277 = arith.constant 0 : i32
        %dma_wait3A_278 = arith.constant 0 : i32
        %dma_wait3A_279 = tpu.memref_slice %arg7[%dma_wait3A_268, %dma_wait3A_277, %dma_wait3A_278] : memref<2x128x64xf32, #tpu.memory_space<vmem>> -> memref<1x128x64xf32, #tpu.memory_space<vmem>>
        %dma_wait3A_280 = tpu.memref_squeeze %dma_wait3A_279 : memref<1x128x64xf32, #tpu.memory_space<vmem>> -> memref<128x64xf32, #tpu.memory_space<vmem>>
        tpu.wait_dma2 semaphore(%arg14 : memref<!tpu.dma_semaphore, #tpu.memory_space<semaphore_mem>>) src(%dma_wait3A_280 : memref<128x64xf32, #tpu.memory_space<vmem>>) dst(%dma_wait3A_276 : memref<128x64xf32, #tpu.memory_space<hbm>>)
      } else {
      }
      %dma_start3A_195 = arith.constant 2 : i32
      %dma_start3A_196 = arith.constant 0 : i32
      %dma_start3A_197 = arith.constant 0 : i32
      %dma_start3A_198 = arith.constant 0 : i32
      %dma_start3A_199 = tpu.memref_slice %arg6[%dma_start3A_196, %dma_start3A_197, %dma_start3A_198] : memref<2x128x128xf32, #tpu.memory_space<vmem>> -> memref<1x128x128xf32, #tpu.memory_space<vmem>>
      %dma_start3A_200 = tpu.memref_squeeze %dma_start3A_199 : memref<1x128x128xf32, #tpu.memory_space<vmem>> -> memref<128x128xf32, #tpu.memory_space<vmem>>
      %dma_start3A_201 = arith.constant 0 : i32
      %dma_start3A_202 = tpu.memref_slice %arg5[%dma_start3A_195, %dma_start3A_201] : memref<4x128xi32, #tpu.memory_space<vmem>> -> memref<1x128xi32, #tpu.memory_space<vmem>>
      %dma_start3A_203 = tpu.memref_squeeze %dma_start3A_202 : memref<1x128xi32, #tpu.memory_space<vmem>> -> memref<128xi32, #tpu.memory_space<vmem>>
      %dma_start3A_204 = arith.constant 0 : i32
      %dma_start3A_205 = arith.constant 0 : i32
      %dma_start3A_206 = tpu.memref_slice %arg3[%dma_start3A_204, %dma_start3A_205] : memref<1000000x128xf32, #tpu.memory_space<hbm>> -> memref<1000000x128xf32, #tpu.memory_space<hbm>>
      tpu.enqueue_indirect_dma source(%dma_start3A_206 : memref<1000000x128xf32, #tpu.memory_space<hbm>>) target(%dma_start3A_200 : memref<128x128xf32, #tpu.memory_space<vmem>>) offsets(%dma_start3A_203 : memref<128xi32, #tpu.memory_space<vmem>>) semaphore(%arg12 : memref<!tpu.dma_semaphore, #tpu.memory_space<semaphore_mem>>)
      %add3A_207 = arith.constant 2 : i32
      %add3A_208 = arith.addi %add3A_177, %add3A_207 : i32
      %lt3A_209 = arith.constant 200 : i32
      %lt3A_210 = arith.cmpi slt, %add3A_208, %lt3A_209 : i32
      %convert_element_type3A_211 = arith.extui %lt3A_210 : i1 to i32
      %cond3A_212 = arith.constant 0 : i32
      %cond3A_213 = arith.cmpi ne, %convert_element_type3A_211, %cond3A_212 : i32
      scf.if %cond3A_213 {
        %add3A_264 = arith.constant 2 : i32
        %add3A_265 = arith.addi %add3A_177, %add3A_264 : i32
        %mul3A_266 = arith.constant 128 : i32
        %mul3A_267 = arith.muli %add3A_265, %mul3A_266 : i32
        %add3A_268 = arith.addi %mul3A_2, %mul3A_267 : i32
        %dma_start3A_269 = arith.constant 0 : i32
        %dma_start3A_270 = arith.constant 0 : i32
        %dma_start3A_271 = tpu.memref_slice %arg5[%dma_start3A_269, %dma_start3A_270] : memref<4x128xi32, #tpu.memory_space<vmem>> -> memref<1x128xi32, #tpu.memory_space<vmem>>
        %dma_start3A_272 = tpu.memref_squeeze %dma_start3A_271 : memref<1x128xi32, #tpu.memory_space<vmem>> -> memref<128xi32, #tpu.memory_space<vmem>>
        %dma_start3A_273 = tpu.memref_slice %arg2[%add3A_268] : memref<819200xi32, #tpu.memory_space<hbm>> -> memref<128xi32, #tpu.memory_space<hbm>>
        %dma_start3A_274 = arith.constant 0 : i32
        %dma_start3A_275 = tpu.memref_slice %arg5[%dma_start3A_269, %dma_start3A_274] : memref<4x128xi32, #tpu.memory_space<vmem>> -> memref<1x128xi32, #tpu.memory_space<vmem>>
        %dma_start3A_276 = tpu.memref_squeeze %dma_start3A_275 : memref<1x128xi32, #tpu.memory_space<vmem>> -> memref<128xi32, #tpu.memory_space<vmem>>
        %dma_start3A_277 = tpu.memref_slice %arg2[%add3A_268] : memref<819200xi32, #tpu.memory_space<hbm>> -> memref<128xi32, #tpu.memory_space<hbm>>
        tpu.enqueue_dma source(%dma_start3A_277 : memref<128xi32, #tpu.memory_space<hbm>>) target(%dma_start3A_276 : memref<128xi32, #tpu.memory_space<vmem>>) target_semaphore(%arg8 : memref<!tpu.dma_semaphore, #tpu.memory_space<semaphore_mem>>)
      } else {
      }
      %gt3A_214 = arith.constant 0 : i32
      %gt3A_215 = arith.cmpi sgt, %add3A_177, %gt3A_214 : i32
      %convert_element_type3A_216 = arith.extui %gt3A_215 : i1 to i32
      %cond3A_217 = arith.constant 0 : i32
      %cond3A_218 = arith.cmpi ne, %convert_element_type3A_216, %cond3A_217 : i32
      scf.if %cond3A_218 {
        %dma_wait3A_264 = arith.constant 1 : i32
        %dma_wait3A_265 = arith.constant 1 : i32
        %dma_wait3A_266 = arith.constant 0 : i32
        %dma_wait3A_267 = arith.constant 0 : i32
        %dma_wait3A_268 = tpu.memref_slice %arg6[%dma_wait3A_265, %dma_wait3A_266, %dma_wait3A_267] : memref<2x128x128xf32, #tpu.memory_space<vmem>> -> memref<1x128x128xf32, #tpu.memory_space<vmem>>
        %dma_wait3A_269 = tpu.memref_squeeze %dma_wait3A_268 : memref<1x128x128xf32, #tpu.memory_space<vmem>> -> memref<128x128xf32, #tpu.memory_space<vmem>>
        %dma_wait3A_270 = arith.constant 0 : i32
        %dma_wait3A_271 = tpu.memref_slice %arg5[%dma_wait3A_264, %dma_wait3A_270] : memref<4x128xi32, #tpu.memory_space<vmem>> -> memref<1x128xi32, #tpu.memory_space<vmem>>
        %dma_wait3A_272 = tpu.memref_squeeze %dma_wait3A_271 : memref<1x128xi32, #tpu.memory_space<vmem>> -> memref<128xi32, #tpu.memory_space<vmem>>
        %dma_wait3A_273 = arith.constant 0 : i32
        %dma_wait3A_274 = arith.constant 0 : i32
        %dma_wait3A_275 = tpu.memref_slice %arg3[%dma_wait3A_273, %dma_wait3A_274] : memref<1000000x128xf32, #tpu.memory_space<hbm>> -> memref<1000000x128xf32, #tpu.memory_space<hbm>>
        tpu.wait_indirect_dma semaphore(%arg13 : memref<!tpu.dma_semaphore, #tpu.memory_space<semaphore_mem>>) src(%dma_wait3A_275 : memref<1000000x128xf32, #tpu.memory_space<hbm>>) dst(%dma_wait3A_269 : memref<128x128xf32, #tpu.memory_space<vmem>>)
        %parallel_loop3A_276 = arith.constant 0 : i32
        %parallel_loop3A_277 = arith.constant 128 : i32
        %parallel_loop3A_278 = arith.constant 1 : i32
        scf.for %parallel_loop3A_296 = %parallel_loop3A_276 to %parallel_loop3A_277 step %parallel_loop3A_278  : i32 {
          %parallel_loop3A_297 = arith.constant 1 : i32
          %parallel_loop3A_298 = arith.index_cast %parallel_loop3A_297 : i32 to index
          %parallel_loop3A_299 = arith.index_cast %parallel_loop3A_296 : i32 to index
          %parallel_loop3A_300 = arith.constant 0 : index
          %parallel_loop3A_301 = tpu.vector_load %arg6[%parallel_loop3A_298, %parallel_loop3A_299, %parallel_loop3A_300] {strides = array<i32>} : memref<2x128x128xf32, #tpu.memory_space<vmem>>, vector<1x1x16xf32>,
          %parallel_loop3A_302 = vector.shape_cast %parallel_loop3A_301 : vector<1x1x16xf32> to vector<16xf32>
          %parallel_loop3A_303 = arith.constant 8.000000e+00 : f32
          %parallel_loop3A_304 = vector.broadcast %parallel_loop3A_303 : f32 to vector<16xf32>
          %parallel_loop3A_305 = arith.mulf %parallel_loop3A_302, %parallel_loop3A_304 : vector<16xf32>
          %parallel_loop3A_306 = arith.constant 1 : i32
          %parallel_loop3A_307 = arith.index_cast %parallel_loop3A_306 : i32 to index
          %parallel_loop3A_308 = arith.index_cast %parallel_loop3A_296 : i32 to index
          %parallel_loop3A_309 = arith.constant 0 : index
          %parallel_loop3A_310 = tpu.vector_load %arg7[%parallel_loop3A_307, %parallel_loop3A_308, %parallel_loop3A_309] {strides = array<i32>} : memref<2x128x64xf32, #tpu.memory_space<vmem>>, vector<1x1x16xf32>,
          %parallel_loop3A_311 = vector.shape_cast %parallel_loop3A_310 : vector<1x1x16xf32> to vector<16xf32>
          %parallel_loop3A_312 = vector.shape_cast %parallel_loop3A_305 : vector<16xf32> to vector<1x1x16xf32>
          tpu.vector_store %arg7[%parallel_loop3A_307, %parallel_loop3A_308, %parallel_loop3A_309], %parallel_loop3A_312 {strides = array<i32>} : memref<2x128x64xf32, #tpu.memory_space<vmem>>, vector<1x1x16xf32>,
          %parallel_loop3A_313 = arith.constant 1 : i32
          %parallel_loop3A_314 = arith.index_cast %parallel_loop3A_313 : i32 to index
          %parallel_loop3A_315 = arith.index_cast %parallel_loop3A_296 : i32 to index
          %parallel_loop3A_316 = arith.constant 16 : index
          %parallel_loop3A_317 = tpu.vector_load %arg6[%parallel_loop3A_314, %parallel_loop3A_315, %parallel_loop3A_316] {strides = array<i32>} : memref<2x128x128xf32, #tpu.memory_space<vmem>>, vector<1x1x16xf32>,
          %parallel_loop3A_318 = vector.shape_cast %parallel_loop3A_317 : vector<1x1x16xf32> to vector<16xf32>
          %parallel_loop3A_319 = arith.constant 8.000000e+00 : f32
          %parallel_loop3A_320 = vector.broadcast %parallel_loop3A_319 : f32 to vector<16xf32>
          %parallel_loop3A_321 = arith.mulf %parallel_loop3A_318, %parallel_loop3A_320 : vector<16xf32>
          %parallel_loop3A_322 = arith.constant 1 : i32
          %parallel_loop3A_323 = arith.index_cast %parallel_loop3A_322 : i32 to index
          %parallel_loop3A_324 = arith.index_cast %parallel_loop3A_296 : i32 to index
          %parallel_loop3A_325 = arith.constant 16 : index
          %parallel_loop3A_326 = tpu.vector_load %arg7[%parallel_loop3A_323, %parallel_loop3A_324, %parallel_loop3A_325] {strides = array<i32>} : memref<2x128x64xf32, #tpu.memory_space<vmem>>, vector<1x1x16xf32>,
          %parallel_loop3A_327 = vector.shape_cast %parallel_loop3A_326 : vector<1x1x16xf32> to vector<16xf32>
          %parallel_loop3A_328 = vector.shape_cast %parallel_loop3A_321 : vector<16xf32> to vector<1x1x16xf32>
          tpu.vector_store %arg7[%parallel_loop3A_323, %parallel_loop3A_324, %parallel_loop3A_325], %parallel_loop3A_328 {strides = array<i32>} : memref<2x128x64xf32, #tpu.memory_space<vmem>>, vector<1x1x16xf32>,
          %parallel_loop3A_329 = arith.constant 1 : i32
          %parallel_loop3A_330 = arith.index_cast %parallel_loop3A_329 : i32 to index
          %parallel_loop3A_331 = arith.index_cast %parallel_loop3A_296 : i32 to index
          %parallel_loop3A_332 = arith.constant 32 : index
          %parallel_loop3A_333 = tpu.vector_load %arg6[%parallel_loop3A_330, %parallel_loop3A_331, %parallel_loop3A_332] {strides = array<i32>} : memref<2x128x128xf32, #tpu.memory_space<vmem>>, vector<1x1x16xf32>,
          %parallel_loop3A_334 = vector.shape_cast %parallel_loop3A_333 : vector<1x1x16xf32> to vector<16xf32>
          %parallel_loop3A_335 = arith.constant 8.000000e+00 : f32
          %parallel_loop3A_336 = vector.broadcast %parallel_loop3A_335 : f32 to vector<16xf32>
          %parallel_loop3A_337 = arith.mulf %parallel_loop3A_334, %parallel_loop3A_336 : vector<16xf32>
          %parallel_loop3A_338 = arith.constant 1 : i32
          %parallel_loop3A_339 = arith.index_cast %parallel_loop3A_338 : i32 to index
          %parallel_loop3A_340 = arith.index_cast %parallel_loop3A_296 : i32 to index
          %parallel_loop3A_341 = arith.constant 32 : index
          %parallel_loop3A_342 = tpu.vector_load %arg7[%parallel_loop3A_339, %parallel_loop3A_340, %parallel_loop3A_341] {strides = array<i32>} : memref<2x128x64xf32, #tpu.memory_space<vmem>>, vector<1x1x16xf32>,
          %parallel_loop3A_343 = vector.shape_cast %parallel_loop3A_342 : vector<1x1x16xf32> to vector<16xf32>
          %parallel_loop3A_344 = vector.shape_cast %parallel_loop3A_337 : vector<16xf32> to vector<1x1x16xf32>
          tpu.vector_store %arg7[%parallel_loop3A_339, %parallel_loop3A_340, %parallel_loop3A_341], %parallel_loop3A_344 {strides = array<i32>} : memref<2x128x64xf32, #tpu.memory_space<vmem>>, vector<1x1x16xf32>,
          %parallel_loop3A_345 = arith.constant 1 : i32
          %parallel_loop3A_346 = arith.index_cast %parallel_loop3A_345 : i32 to index
          %parallel_loop3A_347 = arith.index_cast %parallel_loop3A_296 : i32 to index
          %parallel_loop3A_348 = arith.constant 48 : index
          %parallel_loop3A_349 = tpu.vector_load %arg6[%parallel_loop3A_346, %parallel_loop3A_347, %parallel_loop3A_348] {strides = array<i32>} : memref<2x128x128xf32, #tpu.memory_space<vmem>>, vector<1x1x16xf32>,
          %parallel_loop3A_350 = vector.shape_cast %parallel_loop3A_349 : vector<1x1x16xf32> to vector<16xf32>
          %parallel_loop3A_351 = arith.constant 8.000000e+00 : f32
          %parallel_loop3A_352 = vector.broadcast %parallel_loop3A_351 : f32 to vector<16xf32>
          %parallel_loop3A_353 = arith.mulf %parallel_loop3A_350, %parallel_loop3A_352 : vector<16xf32>
          %parallel_loop3A_354 = arith.constant 1 : i32
          %parallel_loop3A_355 = arith.index_cast %parallel_loop3A_354 : i32 to index
          %parallel_loop3A_356 = arith.index_cast %parallel_loop3A_296 : i32 to index
          %parallel_loop3A_357 = arith.constant 48 : index
          %parallel_loop3A_358 = tpu.vector_load %arg7[%parallel_loop3A_355, %parallel_loop3A_356, %parallel_loop3A_357] {strides = array<i32>} : memref<2x128x64xf32, #tpu.memory_space<vmem>>, vector<1x1x16xf32>,
          %parallel_loop3A_359 = vector.shape_cast %parallel_loop3A_358 : vector<1x1x16xf32> to vector<16xf32>
          %parallel_loop3A_360 = vector.shape_cast %parallel_loop3A_353 : vector<16xf32> to vector<1x1x16xf32>
          tpu.vector_store %arg7[%parallel_loop3A_355, %parallel_loop3A_356, %parallel_loop3A_357], %parallel_loop3A_360 {strides = array<i32>} : memref<2x128x64xf32, #tpu.memory_space<vmem>>, vector<1x1x16xf32>,
        } {sc.loop_unroll_factor = 8 : i64, sc.parallel_access}
        %sub3A = arith.constant 1 : i32
        %sub3A_279 = arith.subi %add3A_177, %sub3A : i32
        %mul3A_280 = arith.constant 128 : i32
        %mul3A_281 = arith.muli %sub3A_279, %mul3A_280 : i32
        %add3A_282 = arith.addi %mul3A_2, %mul3A_281 : i32
        %dma_start3A_283 = arith.constant 1 : i32
        %dma_start3A_284 = arith.constant 0 : i32
        %dma_start3A_285 = arith.constant 0 : i32
        %dma_start3A_286 = tpu.memref_slice %arg7[%dma_start3A_283, %dma_start3A_284, %dma_start3A_285] : memref<2x128x64xf32, #tpu.memory_space<vmem>> -> memref<1x128x64xf32, #tpu.memory_space<vmem>>
        %dma_start3A_287 = tpu.memref_squeeze %dma_start3A_286 : memref<1x128x64xf32, #tpu.memory_space<vmem>> -> memref<128x64xf32, #tpu.memory_space<vmem>>
        %dma_start3A_288 = arith.constant 0 : i32
        %dma_start3A_289 = tpu.memref_slice %arg4[%add3A_282, %dma_start3A_288] : memref<819200x64xf32, #tpu.memory_space<hbm>> -> memref<128x64xf32, #tpu.memory_space<hbm>>
        %dma_start3A_290 = arith.constant 0 : i32
        %dma_start3A_291 = tpu.memref_slice %arg4[%add3A_282, %dma_start3A_290] : memref<819200x64xf32, #tpu.memory_space<hbm>> -> memref<128x64xf32, #tpu.memory_space<hbm>>
        %dma_start3A_292 = arith.constant 0 : i32
        %dma_start3A_293 = arith.constant 0 : i32
        %dma_start3A_294 = tpu.memref_slice %arg7[%dma_start3A_283, %dma_start3A_292, %dma_start3A_293] : memref<2x128x64xf32, #tpu.memory_space<vmem>> -> memref<1x128x64xf32, #tpu.memory_space<vmem>>
        %dma_start3A_295 = tpu.memref_squeeze %dma_start3A_294 : memref<1x128x64xf32, #tpu.memory_space<vmem>> -> memref<128x64xf32, #tpu.memory_space<vmem>>
        tpu.enqueue_dma source(%dma_start3A_295 : memref<128x64xf32, #tpu.memory_space<vmem>>) target(%dma_start3A_291 : memref<128x64xf32, #tpu.memory_space<hbm>>) target_semaphore(%arg15 : memref<!tpu.dma_semaphore, #tpu.memory_space<semaphore_mem>>)
      } else {
      }
      %mul3A_219 = arith.constant 4 : i32
      %mul3A_220 = arith.muli %scan3A_87, %mul3A_219 : i32
      %add3A_221 = arith.constant 3 : i32
      %add3A_222 = arith.addi %mul3A_220, %add3A_221 : i32
      %mul3A_223 = arith.constant 128 : i32
      %mul3A_224 = arith.muli %add3A_222, %mul3A_223 : i32
      %add3A_225 = arith.addi %mul3A_2, %mul3A_224 : i32
      %dma_wait3A_226 = arith.constant 3 : i32
      %dma_wait3A_227 = arith.constant 0 : i32
      %dma_wait3A_228 = tpu.memref_slice %arg5[%dma_wait3A_226, %dma_wait3A_227] : memref<4x128xi32, #tpu.memory_space<vmem>> -> memref<1x128xi32, #tpu.memory_space<vmem>>
      %dma_wait3A_229 = tpu.memref_squeeze %dma_wait3A_228 : memref<1x128xi32, #tpu.memory_space<vmem>> -> memref<128xi32, #tpu.memory_space<vmem>>
      %dma_wait3A_230 = tpu.memref_slice %arg2[%add3A_225] : memref<819200xi32, #tpu.memory_space<hbm>> -> memref<128xi32, #tpu.memory_space<hbm>>
      %dma_wait3A_231 = arith.constant 0 : i32
      %dma_wait3A_232 = tpu.memref_slice %arg5[%dma_wait3A_226, %dma_wait3A_231] : memref<4x128xi32, #tpu.memory_space<vmem>> -> memref<1x128xi32, #tpu.memory_space<vmem>>
      %dma_wait3A_233 = tpu.memref_squeeze %dma_wait3A_232 : memref<1x128xi32, #tpu.memory_space<vmem>> -> memref<128xi32, #tpu.memory_space<vmem>>
      %dma_wait3A_234 = tpu.memref_slice %arg2[%add3A_225] : memref<819200xi32, #tpu.memory_space<hbm>> -> memref<128xi32, #tpu.memory_space<hbm>>
      tpu.wait_dma2 semaphore(%arg11 : memref<!tpu.dma_semaphore, #tpu.memory_space<semaphore_mem>>) src(%dma_wait3A_234 : memref<128xi32, #tpu.memory_space<hbm>>) dst(%dma_wait3A_233 : memref<128xi32, #tpu.memory_space<vmem>>)
      %gt3A_235 = arith.constant 1 : i32
      %gt3A_236 = arith.cmpi sgt, %add3A_222, %gt3A_235 : i32
      %convert_element_type3A_237 = arith.extui %gt3A_236 : i1 to i32
      %cond3A_238 = arith.constant 0 : i32
      %cond3A_239 = arith.cmpi ne, %convert_element_type3A_237, %cond3A_238 : i32
      scf.if %cond3A_239 {
        %sub3A = arith.constant 2 : i32
        %sub3A_264 = arith.subi %add3A_222, %sub3A : i32
        %mul3A_265 = arith.constant 128 : i32
        %mul3A_266 = arith.muli %sub3A_264, %mul3A_265 : i32
        %add3A_267 = arith.addi %mul3A_2, %mul3A_266 : i32
        %dma_wait3A_268 = arith.constant 1 : i32
        %dma_wait3A_269 = arith.constant 0 : i32
        %dma_wait3A_270 = arith.constant 0 : i32
        %dma_wait3A_271 = tpu.memref_slice %arg7[%dma_wait3A_268, %dma_wait3A_269, %dma_wait3A_270] : memref<2x128x64xf32, #tpu.memory_space<vmem>> -> memref<1x128x64xf32, #tpu.memory_space<vmem>>
        %dma_wait3A_272 = tpu.memref_squeeze %dma_wait3A_271 : memref<1x128x64xf32, #tpu.memory_space<vmem>> -> memref<128x64xf32, #tpu.memory_space<vmem>>
        %dma_wait3A_273 = arith.constant 0 : i32
        %dma_wait3A_274 = tpu.memref_slice %arg4[%add3A_267, %dma_wait3A_273] : memref<819200x64xf32, #tpu.memory_space<hbm>> -> memref<128x64xf32, #tpu.memory_space<hbm>>
        %dma_wait3A_275 = arith.constant 0 : i32
        %dma_wait3A_276 = tpu.memref_slice %arg4[%add3A_267, %dma_wait3A_275] : memref<819200x64xf32, #tpu.memory_space<hbm>> -> memref<128x64xf32, #tpu.memory_space<hbm>>
        %dma_wait3A_277 = arith.constant 0 : i32
        %dma_wait3A_278 = arith.constant 0 : i32
        %dma_wait3A_279 = tpu.memref_slice %arg7[%dma_wait3A_268, %dma_wait3A_277, %dma_wait3A_278] : memref<2x128x64xf32, #tpu.memory_space<vmem>> -> memref<1x128x64xf32, #tpu.memory_space<vmem>>
        %dma_wait3A_280 = tpu.memref_squeeze %dma_wait3A_279 : memref<1x128x64xf32, #tpu.memory_space<vmem>> -> memref<128x64xf32, #tpu.memory_space<vmem>>
        tpu.wait_dma2 semaphore(%arg15 : memref<!tpu.dma_semaphore, #tpu.memory_space<semaphore_mem>>) src(%dma_wait3A_280 : memref<128x64xf32, #tpu.memory_space<vmem>>) dst(%dma_wait3A_276 : memref<128x64xf32, #tpu.memory_space<hbm>>)
      } else {
      }
      %dma_start3A_240 = arith.constant 3 : i32
      %dma_start3A_241 = arith.constant 1 : i32
      %dma_start3A_242 = arith.constant 0 : i32
      %dma_start3A_243 = arith.constant 0 : i32
      %dma_start3A_244 = tpu.memref_slice %arg6[%dma_start3A_241, %dma_start3A_242, %dma_start3A_243] : memref<2x128x128xf32, #tpu.memory_space<vmem>> -> memref<1x128x128xf32, #tpu.memory_space<vmem>>
      %dma_start3A_245 = tpu.memref_squeeze %dma_start3A_244 : memref<1x128x128xf32, #tpu.memory_space<vmem>> -> memref<128x128xf32, #tpu.memory_space<vmem>>
      %dma_start3A_246 = arith.constant 0 : i32
      %dma_start3A_247 = tpu.memref_slice %arg5[%dma_start3A_240, %dma_start3A_246] : memref<4x128xi32, #tpu.memory_space<vmem>> -> memref<1x128xi32, #tpu.memory_space<vmem>>
      %dma_start3A_248 = tpu.memref_squeeze %dma_start3A_247 : memref<1x128xi32, #tpu.memory_space<vmem>> -> memref<128xi32, #tpu.memory_space<vmem>>
      %dma_start3A_249 = arith.constant 0 : i32
      %dma_start3A_250 = arith.constant 0 : i32
      %dma_start3A_251 = tpu.memref_slice %arg3[%dma_start3A_249, %dma_start3A_250] : memref<1000000x128xf32, #tpu.memory_space<hbm>> -> memref<1000000x128xf32, #tpu.memory_space<hbm>>
      tpu.enqueue_indirect_dma source(%dma_start3A_251 : memref<1000000x128xf32, #tpu.memory_space<hbm>>) target(%dma_start3A_245 : memref<128x128xf32, #tpu.memory_space<vmem>>) offsets(%dma_start3A_248 : memref<128xi32, #tpu.memory_space<vmem>>) semaphore(%arg13 : memref<!tpu.dma_semaphore, #tpu.memory_space<semaphore_mem>>)
      %add3A_252 = arith.constant 2 : i32
      %add3A_253 = arith.addi %add3A_222, %add3A_252 : i32
      %lt3A_254 = arith.constant 200 : i32
      %lt3A_255 = arith.cmpi slt, %add3A_253, %lt3A_254 : i32
      %convert_element_type3A_256 = arith.extui %lt3A_255 : i1 to i32
      %cond3A_257 = arith.constant 0 : i32
      %cond3A_258 = arith.cmpi ne, %convert_element_type3A_256, %cond3A_257 : i32
      scf.if %cond3A_258 {
        %add3A_264 = arith.constant 2 : i32
        %add3A_265 = arith.addi %add3A_222, %add3A_264 : i32
        %mul3A_266 = arith.constant 128 : i32
        %mul3A_267 = arith.muli %add3A_265, %mul3A_266 : i32
        %add3A_268 = arith.addi %mul3A_2, %mul3A_267 : i32
        %dma_start3A_269 = arith.constant 1 : i32
        %dma_start3A_270 = arith.constant 0 : i32
        %dma_start3A_271 = tpu.memref_slice %arg5[%dma_start3A_269, %dma_start3A_270] : memref<4x128xi32, #tpu.memory_space<vmem>> -> memref<1x128xi32, #tpu.memory_space<vmem>>
        %dma_start3A_272 = tpu.memref_squeeze %dma_start3A_271 : memref<1x128xi32, #tpu.memory_space<vmem>> -> memref<128xi32, #tpu.memory_space<vmem>>
        %dma_start3A_273 = tpu.memref_slice %arg2[%add3A_268] : memref<819200xi32, #tpu.memory_space<hbm>> -> memref<128xi32, #tpu.memory_space<hbm>>
        %dma_start3A_274 = arith.constant 0 : i32
        %dma_start3A_275 = tpu.memref_slice %arg5[%dma_start3A_269, %dma_start3A_274] : memref<4x128xi32, #tpu.memory_space<vmem>> -> memref<1x128xi32, #tpu.memory_space<vmem>>
        %dma_start3A_276 = tpu.memref_squeeze %dma_start3A_275 : memref<1x128xi32, #tpu.memory_space<vmem>> -> memref<128xi32, #tpu.memory_space<vmem>>
        %dma_start3A_277 = tpu.memref_slice %arg2[%add3A_268] : memref<819200xi32, #tpu.memory_space<hbm>> -> memref<128xi32, #tpu.memory_space<hbm>>
        tpu.enqueue_dma source(%dma_start3A_277 : memref<128xi32, #tpu.memory_space<hbm>>) target(%dma_start3A_276 : memref<128xi32, #tpu.memory_space<vmem>>) target_semaphore(%arg9 : memref<!tpu.dma_semaphore, #tpu.memory_space<semaphore_mem>>)
      } else {
      }
      %gt3A_259 = arith.constant 0 : i32
      %gt3A_260 = arith.cmpi sgt, %add3A_222, %gt3A_259 : i32
      %convert_element_type3A_261 = arith.extui %gt3A_260 : i1 to i32
      %cond3A_262 = arith.constant 0 : i32
      %cond3A_263 = arith.cmpi ne, %convert_element_type3A_261, %cond3A_262 : i32
      scf.if %cond3A_263 {
        %dma_wait3A_264 = arith.constant 2 : i32
        %dma_wait3A_265 = arith.constant 0 : i32
        %dma_wait3A_266 = arith.constant 0 : i32
        %dma_wait3A_267 = arith.constant 0 : i32
        %dma_wait3A_268 = tpu.memref_slice %arg6[%dma_wait3A_265, %dma_wait3A_266, %dma_wait3A_267] : memref<2x128x128xf32, #tpu.memory_space<vmem>> -> memref<1x128x128xf32, #tpu.memory_space<vmem>>
        %dma_wait3A_269 = tpu.memref_squeeze %dma_wait3A_268 : memref<1x128x128xf32, #tpu.memory_space<vmem>> -> memref<128x128xf32, #tpu.memory_space<vmem>>
        %dma_wait3A_270 = arith.constant 0 : i32
        %dma_wait3A_271 = tpu.memref_slice %arg5[%dma_wait3A_264, %dma_wait3A_270] : memref<4x128xi32, #tpu.memory_space<vmem>> -> memref<1x128xi32, #tpu.memory_space<vmem>>
        %dma_wait3A_272 = tpu.memref_squeeze %dma_wait3A_271 : memref<1x128xi32, #tpu.memory_space<vmem>> -> memref<128xi32, #tpu.memory_space<vmem>>
        %dma_wait3A_273 = arith.constant 0 : i32
        %dma_wait3A_274 = arith.constant 0 : i32
        %dma_wait3A_275 = tpu.memref_slice %arg3[%dma_wait3A_273, %dma_wait3A_274] : memref<1000000x128xf32, #tpu.memory_space<hbm>> -> memref<1000000x128xf32, #tpu.memory_space<hbm>>
        tpu.wait_indirect_dma semaphore(%arg12 : memref<!tpu.dma_semaphore, #tpu.memory_space<semaphore_mem>>) src(%dma_wait3A_275 : memref<1000000x128xf32, #tpu.memory_space<hbm>>) dst(%dma_wait3A_269 : memref<128x128xf32, #tpu.memory_space<vmem>>)
        %parallel_loop3A_276 = arith.constant 0 : i32
        %parallel_loop3A_277 = arith.constant 128 : i32
        %parallel_loop3A_278 = arith.constant 1 : i32
        scf.for %parallel_loop3A_296 = %parallel_loop3A_276 to %parallel_loop3A_277 step %parallel_loop3A_278  : i32 {
          %parallel_loop3A_297 = arith.constant 0 : i32
          %parallel_loop3A_298 = arith.index_cast %parallel_loop3A_297 : i32 to index
          %parallel_loop3A_299 = arith.index_cast %parallel_loop3A_296 : i32 to index
          %parallel_loop3A_300 = arith.constant 0 : index
          %parallel_loop3A_301 = tpu.vector_load %arg6[%parallel_loop3A_298, %parallel_loop3A_299, %parallel_loop3A_300] {strides = array<i32>} : memref<2x128x128xf32, #tpu.memory_space<vmem>>, vector<1x1x16xf32>,
          %parallel_loop3A_302 = vector.shape_cast %parallel_loop3A_301 : vector<1x1x16xf32> to vector<16xf32>
          %parallel_loop3A_303 = arith.constant 8.000000e+00 : f32
          %parallel_loop3A_304 = vector.broadcast %parallel_loop3A_303 : f32 to vector<16xf32>
          %parallel_loop3A_305 = arith.mulf %parallel_loop3A_302, %parallel_loop3A_304 : vector<16xf32>
          %parallel_loop3A_306 = arith.constant 0 : i32
          %parallel_loop3A_307 = arith.index_cast %parallel_loop3A_306 : i32 to index
          %parallel_loop3A_308 = arith.index_cast %parallel_loop3A_296 : i32 to index
          %parallel_loop3A_309 = arith.constant 0 : index
          %parallel_loop3A_310 = tpu.vector_load %arg7[%parallel_loop3A_307, %parallel_loop3A_308, %parallel_loop3A_309] {strides = array<i32>} : memref<2x128x64xf32, #tpu.memory_space<vmem>>, vector<1x1x16xf32>,
          %parallel_loop3A_311 = vector.shape_cast %parallel_loop3A_310 : vector<1x1x16xf32> to vector<16xf32>
          %parallel_loop3A_312 = vector.shape_cast %parallel_loop3A_305 : vector<16xf32> to vector<1x1x16xf32>
          tpu.vector_store %arg7[%parallel_loop3A_307, %parallel_loop3A_308, %parallel_loop3A_309], %parallel_loop3A_312 {strides = array<i32>} : memref<2x128x64xf32, #tpu.memory_space<vmem>>, vector<1x1x16xf32>,
          %parallel_loop3A_313 = arith.constant 0 : i32
          %parallel_loop3A_314 = arith.index_cast %parallel_loop3A_313 : i32 to index
          %parallel_loop3A_315 = arith.index_cast %parallel_loop3A_296 : i32 to index
          %parallel_loop3A_316 = arith.constant 16 : index
          %parallel_loop3A_317 = tpu.vector_load %arg6[%parallel_loop3A_314, %parallel_loop3A_315, %parallel_loop3A_316] {strides = array<i32>} : memref<2x128x128xf32, #tpu.memory_space<vmem>>, vector<1x1x16xf32>,
          %parallel_loop3A_318 = vector.shape_cast %parallel_loop3A_317 : vector<1x1x16xf32> to vector<16xf32>
          %parallel_loop3A_319 = arith.constant 8.000000e+00 : f32
          %parallel_loop3A_320 = vector.broadcast %parallel_loop3A_319 : f32 to vector<16xf32>
          %parallel_loop3A_321 = arith.mulf %parallel_loop3A_318, %parallel_loop3A_320 : vector<16xf32>
          %parallel_loop3A_322 = arith.constant 0 : i32
          %parallel_loop3A_323 = arith.index_cast %parallel_loop3A_322 : i32 to index
          %parallel_loop3A_324 = arith.index_cast %parallel_loop3A_296 : i32 to index
          %parallel_loop3A_325 = arith.constant 16 : index
          %parallel_loop3A_326 = tpu.vector_load %arg7[%parallel_loop3A_323, %parallel_loop3A_324, %parallel_loop3A_325] {strides = array<i32>} : memref<2x128x64xf32, #tpu.memory_space<vmem>>, vector<1x1x16xf32>,
          %parallel_loop3A_327 = vector.shape_cast %parallel_loop3A_326 : vector<1x1x16xf32> to vector<16xf32>
          %parallel_loop3A_328 = vector.shape_cast %parallel_loop3A_321 : vector<16xf32> to vector<1x1x16xf32>
          tpu.vector_store %arg7[%parallel_loop3A_323, %parallel_loop3A_324, %parallel_loop3A_325], %parallel_loop3A_328 {strides = array<i32>} : memref<2x128x64xf32, #tpu.memory_space<vmem>>, vector<1x1x16xf32>,
          %parallel_loop3A_329 = arith.constant 0 : i32
          %parallel_loop3A_330 = arith.index_cast %parallel_loop3A_329 : i32 to index
          %parallel_loop3A_331 = arith.index_cast %parallel_loop3A_296 : i32 to index
          %parallel_loop3A_332 = arith.constant 32 : index
          %parallel_loop3A_333 = tpu.vector_load %arg6[%parallel_loop3A_330, %parallel_loop3A_331, %parallel_loop3A_332] {strides = array<i32>} : memref<2x128x128xf32, #tpu.memory_space<vmem>>, vector<1x1x16xf32>,
          %parallel_loop3A_334 = vector.shape_cast %parallel_loop3A_333 : vector<1x1x16xf32> to vector<16xf32>
          %parallel_loop3A_335 = arith.constant 8.000000e+00 : f32
          %parallel_loop3A_336 = vector.broadcast %parallel_loop3A_335 : f32 to vector<16xf32>
          %parallel_loop3A_337 = arith.mulf %parallel_loop3A_334, %parallel_loop3A_336 : vector<16xf32>
          %parallel_loop3A_338 = arith.constant 0 : i32
          %parallel_loop3A_339 = arith.index_cast %parallel_loop3A_338 : i32 to index
          %parallel_loop3A_340 = arith.index_cast %parallel_loop3A_296 : i32 to index
          %parallel_loop3A_341 = arith.constant 32 : index
          %parallel_loop3A_342 = tpu.vector_load %arg7[%parallel_loop3A_339, %parallel_loop3A_340, %parallel_loop3A_341] {strides = array<i32>} : memref<2x128x64xf32, #tpu.memory_space<vmem>>, vector<1x1x16xf32>,
          %parallel_loop3A_343 = vector.shape_cast %parallel_loop3A_342 : vector<1x1x16xf32> to vector<16xf32>
          %parallel_loop3A_344 = vector.shape_cast %parallel_loop3A_337 : vector<16xf32> to vector<1x1x16xf32>
          tpu.vector_store %arg7[%parallel_loop3A_339, %parallel_loop3A_340, %parallel_loop3A_341], %parallel_loop3A_344 {strides = array<i32>} : memref<2x128x64xf32, #tpu.memory_space<vmem>>, vector<1x1x16xf32>,
          %parallel_loop3A_345 = arith.constant 0 : i32
          %parallel_loop3A_346 = arith.index_cast %parallel_loop3A_345 : i32 to index
          %parallel_loop3A_347 = arith.index_cast %parallel_loop3A_296 : i32 to index
          %parallel_loop3A_348 = arith.constant 48 : index
          %parallel_loop3A_349 = tpu.vector_load %arg6[%parallel_loop3A_346, %parallel_loop3A_347, %parallel_loop3A_348] {strides = array<i32>} : memref<2x128x128xf32, #tpu.memory_space<vmem>>, vector<1x1x16xf32>,
          %parallel_loop3A_350 = vector.shape_cast %parallel_loop3A_349 : vector<1x1x16xf32> to vector<16xf32>
          %parallel_loop3A_351 = arith.constant 8.000000e+00 : f32
          %parallel_loop3A_352 = vector.broadcast %parallel_loop3A_351 : f32 to vector<16xf32>
          %parallel_loop3A_353 = arith.mulf %parallel_loop3A_350, %parallel_loop3A_352 : vector<16xf32>
          %parallel_loop3A_354 = arith.constant 0 : i32
          %parallel_loop3A_355 = arith.index_cast %parallel_loop3A_354 : i32 to index
          %parallel_loop3A_356 = arith.index_cast %parallel_loop3A_296 : i32 to index
          %parallel_loop3A_357 = arith.constant 48 : index
          %parallel_loop3A_358 = tpu.vector_load %arg7[%parallel_loop3A_355, %parallel_loop3A_356, %parallel_loop3A_357] {strides = array<i32>} : memref<2x128x64xf32, #tpu.memory_space<vmem>>, vector<1x1x16xf32>,
          %parallel_loop3A_359 = vector.shape_cast %parallel_loop3A_358 : vector<1x1x16xf32> to vector<16xf32>
          %parallel_loop3A_360 = vector.shape_cast %parallel_loop3A_353 : vector<16xf32> to vector<1x1x16xf32>
          tpu.vector_store %arg7[%parallel_loop3A_355, %parallel_loop3A_356, %parallel_loop3A_357], %parallel_loop3A_360 {strides = array<i32>} : memref<2x128x64xf32, #tpu.memory_space<vmem>>, vector<1x1x16xf32>,
        } {sc.loop_unroll_factor = 8 : i64, sc.parallel_access}
        %sub3A = arith.constant 1 : i32
        %sub3A_279 = arith.subi %add3A_222, %sub3A : i32
        %mul3A_280 = arith.constant 128 : i32
        %mul3A_281 = arith.muli %sub3A_279, %mul3A_280 : i32
        %add3A_282 = arith.addi %mul3A_2, %mul3A_281 : i32
        %dma_start3A_283 = arith.constant 0 : i32
        %dma_start3A_284 = arith.constant 0 : i32
        %dma_start3A_285 = arith.constant 0 : i32
        %dma_start3A_286 = tpu.memref_slice %arg7[%dma_start3A_283, %dma_start3A_284, %dma_start3A_285] : memref<2x128x64xf32, #tpu.memory_space<vmem>> -> memref<1x128x64xf32, #tpu.memory_space<vmem>>
        %dma_start3A_287 = tpu.memref_squeeze %dma_start3A_286 : memref<1x128x64xf32, #tpu.memory_space<vmem>> -> memref<128x64xf32, #tpu.memory_space<vmem>>
        %dma_start3A_288 = arith.constant 0 : i32
        %dma_start3A_289 = tpu.memref_slice %arg4[%add3A_282, %dma_start3A_288] : memref<819200x64xf32, #tpu.memory_space<hbm>> -> memref<128x64xf32, #tpu.memory_space<hbm>>
        %dma_start3A_290 = arith.constant 0 : i32
        %dma_start3A_291 = tpu.memref_slice %arg4[%add3A_282, %dma_start3A_290] : memref<819200x64xf32, #tpu.memory_space<hbm>> -> memref<128x64xf32, #tpu.memory_space<hbm>>
        %dma_start3A_292 = arith.constant 0 : i32
        %dma_start3A_293 = arith.constant 0 : i32
        %dma_start3A_294 = tpu.memref_slice %arg7[%dma_start3A_283, %dma_start3A_292, %dma_start3A_293] : memref<2x128x64xf32, #tpu.memory_space<vmem>> -> memref<1x128x64xf32, #tpu.memory_space<vmem>>
        %dma_start3A_295 = tpu.memref_squeeze %dma_start3A_294 : memref<1x128x64xf32, #tpu.memory_space<vmem>> -> memref<128x64xf32, #tpu.memory_space<vmem>>
        tpu.enqueue_dma source(%dma_start3A_295 : memref<128x64xf32, #tpu.memory_space<vmem>>) target(%dma_start3A_291 : memref<128x64xf32, #tpu.memory_space<hbm>>) target_semaphore(%arg14 : memref<!tpu.dma_semaphore, #tpu.memory_space<semaphore_mem>>)
      } else {
      }
    }
    %scan3A_28 = arith.constant 50 : i32
    %dma_wait3A = arith.constant 3 : i32
    %dma_wait3A_29 = arith.constant 1 : i32
    %dma_wait3A_30 = arith.constant 0 : i32
    %dma_wait3A_31 = arith.constant 0 : i32
    %dma_wait3A_32 = tpu.memref_slice %arg6[%dma_wait3A_29, %dma_wait3A_30, %dma_wait3A_31] : memref<2x128x128xf32, #tpu.memory_space<vmem>> -> memref<1x128x128xf32, #tpu.memory_space<vmem>>
    %dma_wait3A_33 = tpu.memref_squeeze %dma_wait3A_32 : memref<1x128x128xf32, #tpu.memory_space<vmem>> -> memref<128x128xf32, #tpu.memory_space<vmem>>
    %dma_wait3A_34 = arith.constant 0 : i32
    %dma_wait3A_35 = tpu.memref_slice %arg5[%dma_wait3A, %dma_wait3A_34] : memref<4x128xi32, #tpu.memory_space<vmem>> -> memref<1x128xi32, #tpu.memory_space<vmem>>
    %dma_wait3A_36 = tpu.memref_squeeze %dma_wait3A_35 : memref<1x128xi32, #tpu.memory_space<vmem>> -> memref<128xi32, #tpu.memory_space<vmem>>
    %dma_wait3A_37 = arith.constant 0 : i32
    %dma_wait3A_38 = arith.constant 0 : i32
    %dma_wait3A_39 = tpu.memref_slice %arg3[%dma_wait3A_37, %dma_wait3A_38] : memref<1000000x128xf32, #tpu.memory_space<hbm>> -> memref<1000000x128xf32, #tpu.memory_space<hbm>>
    tpu.wait_indirect_dma semaphore(%arg13 : memref<!tpu.dma_semaphore, #tpu.memory_space<semaphore_mem>>) src(%dma_wait3A_39 : memref<1000000x128xf32, #tpu.memory_space<hbm>>) dst(%dma_wait3A_33 : memref<128x128xf32, #tpu.memory_space<vmem>>)
    %parallel_loop3A = arith.constant 0 : i32
    %parallel_loop3A_40 = arith.constant 128 : i32
    %parallel_loop3A_41 = arith.constant 1 : i32
    scf.for %parallel_loop3A_87 = %parallel_loop3A to %parallel_loop3A_40 step %parallel_loop3A_41  : i32 {
      %parallel_loop3A_88 = arith.constant 1 : i32
      %parallel_loop3A_89 = arith.index_cast %parallel_loop3A_88 : i32 to index
      %parallel_loop3A_90 = arith.index_cast %parallel_loop3A_87 : i32 to index
      %parallel_loop3A_91 = arith.constant 0 : index
      %parallel_loop3A_92 = tpu.vector_load %arg6[%parallel_loop3A_89, %parallel_loop3A_90, %parallel_loop3A_91] {strides = array<i32>} : memref<2x128x128xf32, #tpu.memory_space<vmem>>, vector<1x1x16xf32>,
      %parallel_loop3A_93 = vector.shape_cast %parallel_loop3A_92 : vector<1x1x16xf32> to vector<16xf32>
      %parallel_loop3A_94 = arith.constant 8.000000e+00 : f32
      %parallel_loop3A_95 = vector.broadcast %parallel_loop3A_94 : f32 to vector<16xf32>
      %parallel_loop3A_96 = arith.mulf %parallel_loop3A_93, %parallel_loop3A_95 : vector<16xf32>
      %parallel_loop3A_97 = arith.constant 1 : i32
      %parallel_loop3A_98 = arith.index_cast %parallel_loop3A_97 : i32 to index
      %parallel_loop3A_99 = arith.index_cast %parallel_loop3A_87 : i32 to index
      %parallel_loop3A_100 = arith.constant 0 : index
      %parallel_loop3A_101 = tpu.vector_load %arg7[%parallel_loop3A_98, %parallel_loop3A_99, %parallel_loop3A_100] {strides = array<i32>} : memref<2x128x64xf32, #tpu.memory_space<vmem>>, vector<1x1x16xf32>,
      %parallel_loop3A_102 = vector.shape_cast %parallel_loop3A_101 : vector<1x1x16xf32> to vector<16xf32>
      %parallel_loop3A_103 = vector.shape_cast %parallel_loop3A_96 : vector<16xf32> to vector<1x1x16xf32>
      tpu.vector_store %arg7[%parallel_loop3A_98, %parallel_loop3A_99, %parallel_loop3A_100], %parallel_loop3A_103 {strides = array<i32>} : memref<2x128x64xf32, #tpu.memory_space<vmem>>, vector<1x1x16xf32>,
      %parallel_loop3A_104 = arith.constant 1 : i32
      %parallel_loop3A_105 = arith.index_cast %parallel_loop3A_104 : i32 to index
      %parallel_loop3A_106 = arith.index_cast %parallel_loop3A_87 : i32 to index
      %parallel_loop3A_107 = arith.constant 16 : index
      %parallel_loop3A_108 = tpu.vector_load %arg6[%parallel_loop3A_105, %parallel_loop3A_106, %parallel_loop3A_107] {strides = array<i32>} : memref<2x128x128xf32, #tpu.memory_space<vmem>>, vector<1x1x16xf32>,
      %parallel_loop3A_109 = vector.shape_cast %parallel_loop3A_108 : vector<1x1x16xf32> to vector<16xf32>
      %parallel_loop3A_110 = arith.constant 8.000000e+00 : f32
      %parallel_loop3A_111 = vector.broadcast %parallel_loop3A_110 : f32 to vector<16xf32>
      %parallel_loop3A_112 = arith.mulf %parallel_loop3A_109, %parallel_loop3A_111 : vector<16xf32>
      %parallel_loop3A_113 = arith.constant 1 : i32
      %parallel_loop3A_114 = arith.index_cast %parallel_loop3A_113 : i32 to index
      %parallel_loop3A_115 = arith.index_cast %parallel_loop3A_87 : i32 to index
      %parallel_loop3A_116 = arith.constant 16 : index
      %parallel_loop3A_117 = tpu.vector_load %arg7[%parallel_loop3A_114, %parallel_loop3A_115, %parallel_loop3A_116] {strides = array<i32>} : memref<2x128x64xf32, #tpu.memory_space<vmem>>, vector<1x1x16xf32>,
      %parallel_loop3A_118 = vector.shape_cast %parallel_loop3A_117 : vector<1x1x16xf32> to vector<16xf32>
      %parallel_loop3A_119 = vector.shape_cast %parallel_loop3A_112 : vector<16xf32> to vector<1x1x16xf32>
      tpu.vector_store %arg7[%parallel_loop3A_114, %parallel_loop3A_115, %parallel_loop3A_116], %parallel_loop3A_119 {strides = array<i32>} : memref<2x128x64xf32, #tpu.memory_space<vmem>>, vector<1x1x16xf32>,
      %parallel_loop3A_120 = arith.constant 1 : i32
      %parallel_loop3A_121 = arith.index_cast %parallel_loop3A_120 : i32 to index
      %parallel_loop3A_122 = arith.index_cast %parallel_loop3A_87 : i32 to index
      %parallel_loop3A_123 = arith.constant 32 : index
      %parallel_loop3A_124 = tpu.vector_load %arg6[%parallel_loop3A_121, %parallel_loop3A_122, %parallel_loop3A_123] {strides = array<i32>} : memref<2x128x128xf32, #tpu.memory_space<vmem>>, vector<1x1x16xf32>,
      %parallel_loop3A_125 = vector.shape_cast %parallel_loop3A_124 : vector<1x1x16xf32> to vector<16xf32>
      %parallel_loop3A_126 = arith.constant 8.000000e+00 : f32
      %parallel_loop3A_127 = vector.broadcast %parallel_loop3A_126 : f32 to vector<16xf32>
      %parallel_loop3A_128 = arith.mulf %parallel_loop3A_125, %parallel_loop3A_127 : vector<16xf32>
      %parallel_loop3A_129 = arith.constant 1 : i32
      %parallel_loop3A_130 = arith.index_cast %parallel_loop3A_129 : i32 to index
      %parallel_loop3A_131 = arith.index_cast %parallel_loop3A_87 : i32 to index
      %parallel_loop3A_132 = arith.constant 32 : index
      %parallel_loop3A_133 = tpu.vector_load %arg7[%parallel_loop3A_130, %parallel_loop3A_131, %parallel_loop3A_132] {strides = array<i32>} : memref<2x128x64xf32, #tpu.memory_space<vmem>>, vector<1x1x16xf32>,
      %parallel_loop3A_134 = vector.shape_cast %parallel_loop3A_133 : vector<1x1x16xf32> to vector<16xf32>
      %parallel_loop3A_135 = vector.shape_cast %parallel_loop3A_128 : vector<16xf32> to vector<1x1x16xf32>
      tpu.vector_store %arg7[%parallel_loop3A_130, %parallel_loop3A_131, %parallel_loop3A_132], %parallel_loop3A_135 {strides = array<i32>} : memref<2x128x64xf32, #tpu.memory_space<vmem>>, vector<1x1x16xf32>,
      %parallel_loop3A_136 = arith.constant 1 : i32
      %parallel_loop3A_137 = arith.index_cast %parallel_loop3A_136 : i32 to index
      %parallel_loop3A_138 = arith.index_cast %parallel_loop3A_87 : i32 to index
      %parallel_loop3A_139 = arith.constant 48 : index
      %parallel_loop3A_140 = tpu.vector_load %arg6[%parallel_loop3A_137, %parallel_loop3A_138, %parallel_loop3A_139] {strides = array<i32>} : memref<2x128x128xf32, #tpu.memory_space<vmem>>, vector<1x1x16xf32>,
      %parallel_loop3A_141 = vector.shape_cast %parallel_loop3A_140 : vector<1x1x16xf32> to vector<16xf32>
      %parallel_loop3A_142 = arith.constant 8.000000e+00 : f32
      %parallel_loop3A_143 = vector.broadcast %parallel_loop3A_142 : f32 to vector<16xf32>
      %parallel_loop3A_144 = arith.mulf %parallel_loop3A_141, %parallel_loop3A_143 : vector<16xf32>
      %parallel_loop3A_145 = arith.constant 1 : i32
      %parallel_loop3A_146 = arith.index_cast %parallel_loop3A_145 : i32 to index
      %parallel_loop3A_147 = arith.index_cast %parallel_loop3A_87 : i32 to index
      %parallel_loop3A_148 = arith.constant 48 : index
      %parallel_loop3A_149 = tpu.vector_load %arg7[%parallel_loop3A_146, %parallel_loop3A_147, %parallel_loop3A_148] {strides = array<i32>} : memref<2x128x64xf32, #tpu.memory_space<vmem>>, vector<1x1x16xf32>,
      %parallel_loop3A_150 = vector.shape_cast %parallel_loop3A_149 : vector<1x1x16xf32> to vector<16xf32>
      %parallel_loop3A_151 = vector.shape_cast %parallel_loop3A_144 : vector<16xf32> to vector<1x1x16xf32>
      tpu.vector_store %arg7[%parallel_loop3A_146, %parallel_loop3A_147, %parallel_loop3A_148], %parallel_loop3A_151 {strides = array<i32>} : memref<2x128x64xf32, #tpu.memory_space<vmem>>, vector<1x1x16xf32>,
    } {sc.loop_unroll_factor = 8 : i64, sc.parallel_access}
    %add3A_42 = arith.constant 25472 : i32
    %add3A_43 = arith.addi %mul3A_2, %add3A_42 : i32
    %dma_start3A_44 = arith.constant 1 : i32
    %dma_start3A_45 = arith.constant 0 : i32
    %dma_start3A_46 = arith.constant 0 : i32
    %dma_start3A_47 = tpu.memref_slice %arg7[%dma_start3A_44, %dma_start3A_45, %dma_start3A_46] : memref<2x128x64xf32, #tpu.memory_space<vmem>> -> memref<1x128x64xf32, #tpu.memory_space<vmem>>
    %dma_start3A_48 = tpu.memref_squeeze %dma_start3A_47 : memref<1x128x64xf32, #tpu.memory_space<vmem>> -> memref<128x64xf32, #tpu.memory_space<vmem>>
    %dma_start3A_49 = arith.constant 0 : i32
    %dma_start3A_50 = tpu.memref_slice %arg4[%add3A_43, %dma_start3A_49] : memref<819200x64xf32, #tpu.memory_space<hbm>> -> memref<128x64xf32, #tpu.memory_space<hbm>>
    %dma_start3A_51 = arith.constant 0 : i32
    %dma_start3A_52 = tpu.memref_slice %arg4[%add3A_43, %dma_start3A_51] : memref<819200x64xf32, #tpu.memory_space<hbm>> -> memref<128x64xf32, #tpu.memory_space<hbm>>
    %dma_start3A_53 = arith.constant 0 : i32
    %dma_start3A_54 = arith.constant 0 : i32
    %dma_start3A_55 = tpu.memref_slice %arg7[%dma_start3A_44, %dma_start3A_53, %dma_start3A_54] : memref<2x128x64xf32, #tpu.memory_space<vmem>> -> memref<1x128x64xf32, #tpu.memory_space<vmem>>
    %dma_start3A_56 = tpu.memref_squeeze %dma_start3A_55 : memref<1x128x64xf32, #tpu.memory_space<vmem>> -> memref<128x64xf32, #tpu.memory_space<vmem>>
    tpu.enqueue_dma source(%dma_start3A_56 : memref<128x64xf32, #tpu.memory_space<vmem>>) target(%dma_start3A_52 : memref<128x64xf32, #tpu.memory_space<hbm>>) target_semaphore(%arg15 : memref<!tpu.dma_semaphore, #tpu.memory_space<semaphore_mem>>)
    %add3A_57 = arith.constant 25344 : i32
    %add3A_58 = arith.addi %mul3A_2, %add3A_57 : i32
    %dma_wait3A_59 = arith.constant 0 : i32
    %dma_wait3A_60 = arith.constant 0 : i32
    %dma_wait3A_61 = arith.constant 0 : i32
    %dma_wait3A_62 = tpu.memref_slice %arg7[%dma_wait3A_59, %dma_wait3A_60, %dma_wait3A_61] : memref<2x128x64xf32, #tpu.memory_space<vmem>> -> memref<1x128x64xf32, #tpu.memory_space<vmem>>
    %dma_wait3A_63 = tpu.memref_squeeze %dma_wait3A_62 : memref<1x128x64xf32, #tpu.memory_space<vmem>> -> memref<128x64xf32, #tpu.memory_space<vmem>>
    %dma_wait3A_64 = arith.constant 0 : i32
    %dma_wait3A_65 = tpu.memref_slice %arg4[%add3A_58, %dma_wait3A_64] : memref<819200x64xf32, #tpu.memory_space<hbm>> -> memref<128x64xf32, #tpu.memory_space<hbm>>
    %dma_wait3A_66 = arith.constant 0 : i32
    %dma_wait3A_67 = tpu.memref_slice %arg4[%add3A_58, %dma_wait3A_66] : memref<819200x64xf32, #tpu.memory_space<hbm>> -> memref<128x64xf32, #tpu.memory_space<hbm>>
    %dma_wait3A_68 = arith.constant 0 : i32
    %dma_wait3A_69 = arith.constant 0 : i32
    %dma_wait3A_70 = tpu.memref_slice %arg7[%dma_wait3A_59, %dma_wait3A_68, %dma_wait3A_69] : memref<2x128x64xf32, #tpu.memory_space<vmem>> -> memref<1x128x64xf32, #tpu.memory_space<vmem>>
    %dma_wait3A_71 = tpu.memref_squeeze %dma_wait3A_70 : memref<1x128x64xf32, #tpu.memory_space<vmem>> -> memref<128x64xf32, #tpu.memory_space<vmem>>
    tpu.wait_dma2 semaphore(%arg14 : memref<!tpu.dma_semaphore, #tpu.memory_space<semaphore_mem>>) src(%dma_wait3A_71 : memref<128x64xf32, #tpu.memory_space<vmem>>) dst(%dma_wait3A_67 : memref<128x64xf32, #tpu.memory_space<hbm>>)
    %add3A_72 = arith.constant 25472 : i32
    %add3A_73 = arith.addi %mul3A_2, %add3A_72 : i32
    %dma_wait3A_74 = arith.constant 1 : i32
    %dma_wait3A_75 = arith.constant 0 : i32
    %dma_wait3A_76 = arith.constant 0 : i32
    %dma_wait3A_77 = tpu.memref_slice %arg7[%dma_wait3A_74, %dma_wait3A_75, %dma_wait3A_76] : memref<2x128x64xf32, #tpu.memory_space<vmem>> -> memref<1x128x64xf32, #tpu.memory_space<vmem>>
    %dma_wait3A_78 = tpu.memref_squeeze %dma_wait3A_77 : memref<1x128x64xf32, #tpu.memory_space<vmem>> -> memref<128x64xf32, #tpu.memory_space<vmem>>
    %dma_wait3A_79 = arith.constant 0 : i32
    %dma_wait3A_80 = tpu.memref_slice %arg4[%add3A_73, %dma_wait3A_79] : memref<819200x64xf32, #tpu.memory_space<hbm>> -> memref<128x64xf32, #tpu.memory_space<hbm>>
    %dma_wait3A_81 = arith.constant 0 : i32
    %dma_wait3A_82 = tpu.memref_slice %arg4[%add3A_73, %dma_wait3A_81] : memref<819200x64xf32, #tpu.memory_space<hbm>> -> memref<128x64xf32, #tpu.memory_space<hbm>>
    %dma_wait3A_83 = arith.constant 0 : i32
    %dma_wait3A_84 = arith.constant 0 : i32
    %dma_wait3A_85 = tpu.memref_slice %arg7[%dma_wait3A_74, %dma_wait3A_83, %dma_wait3A_84] : memref<2x128x64xf32, #tpu.memory_space<vmem>> -> memref<1x128x64xf32, #tpu.memory_space<vmem>>
    %dma_wait3A_86 = tpu.memref_squeeze %dma_wait3A_85 : memref<1x128x64xf32, #tpu.memory_space<vmem>> -> memref<128x64xf32, #tpu.memory_space<vmem>>
    tpu.wait_dma2 semaphore(%arg15 : memref<!tpu.dma_semaphore, #tpu.memory_space<semaphore_mem>>) src(%dma_wait3A_86 : memref<128x64xf32, #tpu.memory_space<vmem>>) dst(%dma_wait3A_82 : memref<128x64xf32, #tpu.memory_space<hbm>>)
    return
  }
}

</mosaic_0001>

<sc_bundles>
// kernel: _emb_lookup.3.cloned.1.call-start
scs
__scs_entry_jumppad:
0x0: {  	(pc) =	sbr.rel $0x88, $3  }
0x1: {  	(tag) =	ssettag $0x0;
	lr =	simm.s32 $0x1  }
0x2: {  	[smem:$0x3F9F] =	sst lr;
	_ =	strace $0xD0000000  }
0x3: {  	_ = 	snop  }
0x4: {  	_ = 	snop  }
0x5: {  	_ = 	snop  }
0x6: {  	_ = 	snop  }
0x7: {  	_ = 	snop  }
__scs_overlays_trampoline_lowered:
0x8: {  	[smem:$0x3FAE] =	sst s0  }
0x9: {  	[smem:$0x3FAF] =	sst s1  }
0xa: {  	[smem:$0x3FB0] =	sst s2  }
0xb: {  	[smem:$0x3FB1] =	sst s3  }
0xc: {  	[smem:$0x3FB2] =	sst s4  }
0xd: {  	[smem:$0x3FB3] =	sst s5  }
0xe: {  	[smem:$0x3FB4] =	sst s6  }
0xf: {  	[smem:$0x3FB5] =	sst s7  }
0x10: {  	[smem:$0x3FB6] =	sst s8  }
0x11: {  	[smem:$0x3FB7] =	sst s9;
	s0 =	simm.s32 @!p0 $0x0  }
0x12: {  	s1 =	sld [smem:$0x3F9D];
	s0 =	simm.s32 @p0 $0x1  }
0x13: {  	[smem:$0x3FB8] =	sst s0;
	s0 =	simm.s32 @!p1 $0x0  }
0x14: {  	s2 =	sld [smem:$0x3F9C];
	s0 =	simm.s32 @p1 $0x1  }
0x15: {  	[smem:$0x3FB9] =	sst s0;
	s0 =	simm.s32 @!p2 $0x0  }
0x16: {  	s3 =	sld [smem:$0x3FDB];
	s0 =	simm.s32 @p2 $0x1  }
0x17: {  	s4 =	simm.s32 $0x1BF5;
	[smem:$0x3FBB] =	sst s0  }
0x18: {  	s0 =	sld [smem:$0x3F9E];
	_ =	swait.ge [sflag:s4], $0x0  }
0x19: {  	s7 =	sld [smem:$0x3F9F]  }
0x1a: {  	s8 =	sadd.s32 $0xFFFFE003, lr  }
0x1b: {  	s9 =	sadd.s32 $0xFFFFFEF7, lr;
	s5 =	simm.s32 $0xFFFFFFFF;
	p2 =	slt.u32 s8, $0xFFFFF086  }
0x1c: {  	p1 =	slt.u32 s9, $0xF7A;
	s5 =	simm.s32 @!p2 $0x0  }
0x1d: {  	s5 =	simm.s32 @p1 $0x1;
	p0 =	seq.s32 s7, s2  }
0x1e: {  	s7 =	smul.u32 @!p0 $0xF7A, s2;
	p2 =	seq.s32 @!p0 s5, $0x0  }
0x1f: {  	s9 =	smul.u32 $0xF7A, s1;
	s8 =	simm.s32 @!p0 $0x1BF5;
	p2 =	por !p2, p0  }
0x20: {  	[sflag:s8] =	ssyncset.s32 @!p0 $0xFFFFF086;
	s6 =	sadd.s32 @!p0 s3, s7;
	s7 =	simm.s32 @!p0 $0x108  }
0x21: {  	s3 =	sadd.s32 s3, s9;
	s6 =	sadd.s32 @!p0 $0x88, s6;
	s7 =	simm.s32 @p2 $0x1082  }
0x22: {  	[simem:s7], [sflag:s8] =	dma.local @!p0 [hbm:s6], $0xF7A  }
0x23: {  	s9 =	sor.u32 $0xD0000000, s2;
	s6 =	simm.s32 $0x108;
	_ =	swait.ge @!p0 [sflag:s8], $0x0  }
0x24: {  	s3 =	sadd.s32 $0x88, s3;
	s6 =	simm.s32 @!p1 $0x1082;
	[sflag:s4] =	ssyncset.s32 $0xFFFFF086  }
0x25: {  	[simem:s6], [sflag:s4] =	dma.local [hbm:s3], $0xF7A  }
0x26: {  	[smem:$0x3F9F] =	sst s1;
	(tag) =	ssettag s2;
	_ =	strace s9  }
0x27: {  	s1 =	sld [smem:$0x3FAF]  }
0x28: {  	s2 =	sld [smem:$0x3FB0]  }
0x29: {  	s4 =	sld [smem:$0x3FB2]  }
0x2a: {  	p0 =	seq.s32 s5, $0x0;
	s5 =	sld [smem:$0x3FB3]  }
0x2b: {  	s6 =	sld [smem:$0x3FB4]  }
0x2c: {  	s7 =	sld [smem:$0x3FB5]  }
0x2d: {  	s3 =	simm.s32 $0x108;
	s8 =	sld [smem:$0x3FB6]  }
0x2e: {  	s3 =	simm.s32 @!p0 $0x1082;
	s9 =	sld [smem:$0x3FB7]  }
0x2f: {  	lr =	sadd.s32 s0, s3;
	s0 =	sld [smem:$0x3FAE]  }
0x30: {  	s3 =	sld [smem:$0x3FB1]  }
0x31: {  	[smem:$0x3FBA] =	sst s10  }
0x32: {  	s10 =	sld [smem:$0x3FB8];
	_ =	sdelay $0x3  }
0x33: {  	p0 =	seq.s32 s10, $0x1;
	s10 =	sld [smem:$0x3FBA];
	_ =	sdelay $0x3  }
0x34: {  	[smem:$0x3FBA] =	sst s10  }
0x35: {  	s10 =	sld [smem:$0x3FB9];
	_ =	sdelay $0x3  }
0x36: {  	p1 =	seq.s32 s10, $0x1;
	s10 =	sld [smem:$0x3FBA];
	_ =	sdelay $0x3  }
0x37: {  	[smem:$0x3FBA] =	sst s10  }
0x38: {  	s10 =	sld [smem:$0x3FBB]  }
0x39: {  	_ = 	snop;
	(pc) =	sbr.ind lr, $3  }
0x3a: {  	_ = 	snop  }
0x3b: {  	_ = 	snop  }
0x3c: {  	p2 =	seq.s32 s10, $0x1;
	s10 =	sld [smem:$0x3FBA]  }
0x3d: {  	_ =	shalt  }
0x3e: {  	_ =	shalt  }
0x3f: {  	_ =	shalt  }
0x40: {  	_ =	shalt  }
0x41: {  	_ =	shalt  }
0x42: {  	_ =	shalt  }
0x43: {  	_ =	shalt  }
0x44: {  	_ =	shalt  }
0x45: {  	_ =	shalt  }
0x46: {  	_ =	shalt  }
0x47: {  	_ =	shalt  }
0x48: {  	_ =	shalt  }
0x49: {  	_ =	shalt  }
0x4a: {  	_ =	shalt  }
0x4b: {  	_ =	shalt  }
0x4c: {  	_ =	shalt  }
0x4d: {  	_ =	shalt  }
0x4e: {  	_ =	shalt  }
0x4f: {  	_ =	shalt  }
0x50: {  	_ =	shalt  }
0x51: {  	_ =	shalt  }
0x52: {  	_ =	shalt  }
0x53: {  	_ =	shalt  }
0x54: {  	_ =	shalt  }
0x55: {  	_ =	shalt  }
0x56: {  	_ =	shalt  }
0x57: {  	_ =	shalt  }
0x58: {  	_ =	shalt  }
0x59: {  	_ =	shalt  }
0x5a: {  	_ =	shalt  }
0x5b: {  	_ =	shalt  }
0x5c: {  	_ =	shalt  }
0x5d: {  	_ =	shalt  }
0x5e: {  	_ =	shalt  }
0x5f: {  	_ =	shalt  }
0x60: {  	_ =	shalt  }
0x61: {  	_ =	shalt  }
0x62: {  	_ =	shalt  }
0x63: {  	_ =	shalt  }
0x64: {  	_ =	shalt  }
0x65: {  	_ =	shalt  }
0x66: {  	_ =	shalt  }
0x67: {  	_ =	shalt  }
0x68: {  	_ =	shalt  }
0x69: {  	_ =	shalt  }
0x6a: {  	_ =	shalt  }
0x6b: {  	_ =	shalt  }
0x6c: {  	_ =	shalt  }
0x6d: {  	_ =	shalt  }
0x6e: {  	_ =	shalt  }
0x6f: {  	_ =	shalt  }
0x70: {  	_ =	shalt  }
0x71: {  	_ =	shalt  }
0x72: {  	_ =	shalt  }
0x73: {  	_ =	shalt  }
0x74: {  	_ =	shalt  }
0x75: {  	_ =	shalt  }
0x76: {  	_ =	shalt  }
0x77: {  	_ =	shalt  }
0x78: {  	_ =	shalt  }
0x79: {  	_ =	shalt  }
0x7a: {  	_ =	shalt  }
0x7b: {  	_ =	shalt  }
0x7c: {  	_ =	shalt  }
0x7d: {  	_ =	shalt  }
0x7e: {  	_ =	shalt  }
0x7f: {  	_ =	shalt  }
0x80: {  	_ =	shalt  }
0x81: {  	_ =	shalt  }
0x82: {  	_ =	shalt  }
0x83: {  	_ =	shalt  }
0x84: {  	_ =	shalt  }
0x85: {  	_ =	shalt  }
0x86: {  	_ =	shalt  }
0x87: {  	_ =	shalt  }
.Lfunc_end0:
.L_simem_size_0:
called_computation_lowered:
.L_overlay_start_0:
0x88: {  	s2 =	sld [smem:$0x3FD9]  }
0x89: {  	s3 =	sld [smem:$0x3FFE];
	_ =	sdelay $0x1  }
0x8a: {  	s1 =	srdreg.scid  }
0x8b: {  	s0 =	sand.u32 $0x1, s1  }
0x8c: {  	s17 =	sshll.u32 s0, $0xA;
	s2 =	sadd.s32 s3, s2  }
0x8d: {  	s2 =	sadd.s32 s2, s17  }
0x8e: {  	[smem:$0x3FC6] =	sst s2  }
0x8f: {  	_ = 	snop  }
0x90: {  	s2 =	sld [smem:$0x3FC9]  }
0x91: {  	s18 =	sld [smem:$0x3FC8];
	(tm) =	ssettm $0x1  }
0x92: {  	s4 =	sld [smem:$0x3FFB];
	_ =	sdelay $0x3  }
0x93: {  	_ =	strace s4  }
0x94: {  	s4 =	sld [smem:$0x3FFC];
	_ =	sdelay $0x3  }
0x95: {  	_ =	strace s4  }
0x96: {  	s4 =	sld [smem:$0x3FFD];
	_ =	sdelay $0x3  }
0x97: {  	_ =	strace s4  }
0x98: {  	_ =	strace $0x8FFFFFFF  }
0x99: {  	s19 =	sld [smem:$0x3FDB];
	_ =	sdelay $0x1  }
0x9a: {  	s5 =	simm.s32 $_scs_section_size  }
0x9b: {  	s6 =	simm.s32 $_size__tile_overlayer_lowered;
	s7 =	simm.s32 $_tile_overlayer_lowered  }
0x9c: {  	s22 =	simm.s32 $0x1BFF;
	s21 =	sshll.u32 s7, $0x1;
	s4 =	sadd.s32 s5, s19  }
0x9d: {  	s8 =	simm.s32 $0x0;
	s20 =	sshll.u32 s6, $0x1;
	s6 =	sadd.s32 s21, s4  }
0x9e: {  	[timem:s8], [sflag:s22] =	dma.local [hbm:s6], s20  }
0x9f: {  	_ =	swait.ge [sflag:s22], s20  }
0xa0: {  	s5 =	ssub.s32 $0x0, s20;
	[sflag:s22] =	ssyncset.done $0x0  }
0xa1: {  	[sflag:s22] =	ssyncadd.s32 s5;
	_ =	sdelay $0x1  }
0xa2: {  	s23 =	simm.s32 $0x1B8B  }
0xa3: {  	_ =	swait.ge [sflag:s23], $0x1  }
0xa4: {  	[sflag:s23] =	ssyncset.done $0x0  }
0xa5: {  	s25 =	simm.s32 $0x1B8E;
	s24 =	sld [smem:$0x3FFE];
	[sflag:s23] =	ssyncadd.s32 $0xFFFFFFFF  }
0xa6: {  	s26 =	simm.s32 $execute0_lowered;
	[smem:$0x3FD2] =	sst s25  }
0xa7: {  	s6 =	sshll.u32 s26, $0x1;
	_ =	strace $0x80000046;
	[dreg:$0x1] =	wrdreg $0xFFFFFFFF  }
0xa8: {  	s28 =	simm.s32 $_size_execute0_lowered;
	s4 =	sadd.s32 s4, s6;
	[dreg:$0x0] =	wrdreg $0x0  }
0xa9: {  	s6 =	sshll.u32 s28, $0x1;
	[dreg:$0x2] =	wrdreg s4  }
0xaa: {  	[dreg:$0x3] =	wrdreg s6  }
0xab: {  	[dreg:$0x4] =	wrdreg $0xC0  }
0xac: {  	_ =	task [dreg:s8], $0x5FFFF  }
0xad: {  	[dreg:$0x1] =	wrdreg $0xFFFFFFFF  }
0xae: {  	[dreg:$0x0] =	wrdreg $0x60  }
0xaf: {  	[dreg:$0x2] =	wrdreg s2  }
0xb0: {  	[dreg:$0x3] =	wrdreg s18  }
0xb1: {  	[dreg:$0x4] =	wrdreg s24  }
0xb2: {  	[dreg:$0x5] =	wrdreg $0x9  }
0xb3: {  	_ =	task.clear_ibuf [dreg:s8], $0x6FFFF;
	_ =	strace $0x90000046  }
0xb4: {  	s29 =	simm.s32 $0x9;
	_ =	strace $0x80000048  }
0xb5: {  	_ =	swait.ge [sflag:s29], $0x1  }
0xb6: {  	[sflag:s29] =	ssyncadd.s32 $0xFFFFFFFF  }
0xb7: {  	_ =	strace $0x90000048  }
0xb8: {  	_ =	sfence  }
0xb9: {  	s30 =	sld [smem:$0x0];
	_ =	sdelay $0x2  }
0xba: {  	s31 =	sshll.u32 s1, $0xD;
	s1 =	sshrl.u32 s1, $0x2  }
0xbb: {  	s3 =	sand.u32 $0x4000, s31;
	s1 =	sadd.s32 s1, s30  }
0xbc: {  	s0 =	sor.u32 s3, s0;
	s1 =	sshll.u32 s1, $0x11  }
0xbd: {  	s0 =	sor.u32 s1, s0  }
0xbe: {  	s0 =	sadd.s32 $0x8F2B, s0  }
0xbf: {  	[sflag:s0] =	ssyncadd.remote.s32 $0x1  }
0xc0: {  	_ =	sfence.sel $0xFFFF  }
0xc1: {  	[dreg:$0x0] =	wrdreg $0xFFFFFFFF;
	(pc) =	sbr.abs _section_cstart, $3  }
0xc2: {  	[dreg:$0x1] =	wrdreg $0xFFFFFFFF  }
0xc3: {  	_ =	task.clear_ibuf [dreg:s8], $0x2FFFF;
	_ =	strace $0x9FFFFFFF  }
0xc4: {  	(tm) =	ssettm $0x7FFFFFFF  }
0xc5: {  	_ =	shalt  }
tec
execute0_lowered:
.L_overlay_start_1:
0x0: {  	(tag) =	ssettag $0x1  }
0x1: {  	s1 =	rddreg [dreg:$0x0]  }
0x2: {  	s0 =	srdreg.scid;
	s3 =	rddreg [dreg:$0x1]  }
0x3: {  	s2 =	stileid.u32;
	s6 =	rddreg [dreg:$0x2]  }
0x4: {  	s4 =	simm.s32 $0x0;
	s17 =	simm.s32 $0x80;
	s18 =	simm.s32 $0x1  }
0x5: {  	s19 =	simm.s32 $0x200;
	s20 =	simm.s32 $0x100;
	s21 =	simm.s32 $0x2  }
0x6: {  	s22 =	simm.s32 $0x4200;
	s0 =	sand.u32 $0x1, s0;
	s2 =	sshll.u32 s2, $0x1  }
0x7: {  	s28 =	simm.s32 $0x7;
	s29 =	simm.s32 $0x6;
	s2 =	sor.u32 s0, s2  }
0x8: {  	s31 =	simm.s32 $0x4;
	s0 =	ssub.s32 $0x2, s0;
	s5 =	smul.u32 $0x6400, s2  }
0x9: {  	[smem:$0x7FF] =	sst s4;
	s8 =	sadd.s32 $0x400, s6;
	s9 =	sshrl.u32 s0, $0x1  }
0xa: {  	_ =	strace $0x80000047;
	s0 =	ssub.s32 s0, s9;
	s7 =	sshrl.u32 s5, $0x3  }
0xb: {  	s24 =	sor.u32 $0x80, s5;
	s11 =	sor.u32 $0x180, s5;
	s12 =	sor.u32 $0x200, s5  }
0xc: {  	s13 =	sor.u32 $0x280, s5;
	s0 =	smax.u32 s0, $0x1;
	[dreg:$0x6] =	wrdreg s24  }
0xd: {  	s10 =	sadd.s32 s1, s7;
	s7 =	smul.u32 $0x320000, s2;
	[dreg:$0x8] =	wrdreg s0  }
0xe: {  	s2 =	smul.u32 $0x64000, s2;
	s24 =	simm.s32 $0x5;
	[dreg:$0x4] =	wrdreg s10  }
0xf: {  	s23 =	sadd.s32 $0x10, s10;
	s10 =	smov.u32 s5;
	s5 =	simm.s32 $0x0  }
0x10: {  	[dreg:$0x5] =	wrdreg s23;
	s25 =	sshrl.u32 s7, $0x3;
	s2 =	sadd.s32 s8, s2  }
0x11: {  	s23 =	simm.s32 $0x180;
	s6 =	sadd.s32 s8, s25;
	s30 =	sadd.s32 $0xFFFFF800, s2  }
0x12: {  	s25 =	simm.s32 $0x8200;
	s26 =	sadd.s32 $0x63800, s6;
	[dreg:$0x9] =	wrdreg s30  }
0x13: {  	s2 =	simm.s32 $0x8;
	[dreg:$0x7] =	wrdreg s26;
	s26 =	simm.s32 $0x3  }
.LBB2_1:
0x14: {  	[dreg:$0xa] =	wrdreg s5  }
0x15: {  	s0 =	rddreg [dreg:$0x4]  }
0x16: {  	[tilespmem:s4], [sflag:$0x1] =	stream.linear.gather [hbm4b:s0+s4], $0x80, $0x38;
	[tilespmem:$0x10200] =	vst v63  }
0x17: {  	s30 =	rddreg [dreg:$0x5];
	s9 =	simm.s32 $0x0  }
0x18: {  	[tilespmem:s17], [sflag:$0x2] =	stream.linear.gather [hbm4b:s30+s4], $0x80, $0x38;
	[tilespmem:$0x10200] =	vst v63  }
.LBB2_2:
0x19: {  	_ =	swait.ge [sflag:s18], $0x80  }
0x1a: {  	p0 =	seq.s32 s9, $0x0;
	[sflag:s18] =	ssyncset.done $0x0  }
0x1b: {  	s6 =	sshll.u32 s9, $0x2;
	s0 =	simm.s32 @!p0 $0x7;
	[sflag:s18] =	ssyncadd.s32 $0xFFFFFF80  }
0x1c: {  	s14 =	sor.u32 $0x2, s6;
	_ =	swait.ge @!p0 [sflag:s0], $0x4000  }
0x1d: {  	s30 =	sshll.u32 s14, $0x7;
	[sflag:s0] =	ssyncset.done @!p0 $0x0  }
.Ltmp0:
0x1e: {  	[sflag:s0] =	ssyncadd.s32 @!p0 $0xFFFFC000;
	s0 =	sadd.s32 s10, s30;
	(pc) =	sbr.rel @p0 .LBB2_6-.Ltmp0, $4  }
0x1f: {  	[tilespmem:s19], [sflag:$0x5] =	stream.indirect.gather [hbm4b:s3+s17], $0x80, s4, s17, $0xb8;
	[tilespmem:$0x10200] =	vst v63  }
0x20: {  	s0 =	sshrl.u32 s0, $0x3  }
0x21: {  	s0 =	sadd.s32 s1, s0  }
0x22: {  	[tilespmem:s20], [sflag:$0x3] =	stream.linear.gather [hbm4b:s0+s4], $0x80, $0x38;
	[tilespmem:$0x10200] =	vst v63  }
0x23: {  	_ =	swait.ge [sflag:s29], $0x4000  }
0x24: {  	[sflag:s29] =	ssyncset.done $0x0  }
0x25: {  	s6 =	simm.s32 $0x0;
	[sflag:s29] =	ssyncadd.s32 $0xFFFFC000  }
0x26: {  	v0 =	vld [tilespmem:s6+$0x45B0]  }
0x27: {  	v1 =	vld [tilespmem:s6+$0x4200]  }
0x28: {  	v2 =	vld [tilespmem:s6+$0x4210]  }
0x29: {  	v3 =	vld [tilespmem:s6+$0x4220]  }
0x2a: {  	v4 =	vld [tilespmem:s6+$0x4230]  }
0x2b: {  	v5 =	vld [tilespmem:s6+$0x4280];
	v0 =	vmul.f32 $8.000000000e+00, v0  }
0x2c: {  	v6 =	vld [tilespmem:s6+$0x4290];
	v1 =	vmul.f32 $8.000000000e+00, v1  }
0x2d: {  	v7 =	vld [tilespmem:s6+$0x42A0];
	v2 =	vmul.f32 $8.000000000e+00, v2;
	[tilespmem:s6+$0xC5B0] =	vst v0  }
0x2e: {  	[tilespmem:s6+$0xC200] =	vst v1;
	v0 =	vmul.f32 $8.000000000e+00, v3;
	v1 =	vld [tilespmem:s6+$0x42B0]  }
0x2f: {  	[tilespmem:s6+$0xC210] =	vst v2;
	v2 =	vmul.f32 $8.000000000e+00, v4;
	v3 =	vld [tilespmem:s6+$0x4300]  }
0x30: {  	v4 =	vld [tilespmem:s6+$0x4310];
	[tilespmem:s6+$0xC220] =	vst v0;
	v0 =	vmul.f32 $8.000000000e+00, v5  }
0x31: {  	[tilespmem:s6+$0xC230] =	vst v2;
	v2 =	vmul.f32 $8.000000000e+00, v6;
	v5 =	vld [tilespmem:s6+$0x4320]  }
0x32: {  	v6 =	vld [tilespmem:s6+$0x4330];
	[tilespmem:s6+$0xC280] =	vst v0;
	v0 =	vmul.f32 $8.000000000e+00, v7  }
0x33: {  	[tilespmem:s6+$0xC290] =	vst v2;
	v2 =	vld [tilespmem:s6+$0x4380];
	v1 =	vmul.f32 $8.000000000e+00, v1  }
0x34: {  	[tilespmem:s6+$0xC2A0] =	vst v0;
	v0 =	vmul.f32 $8.000000000e+00, v3;
	v3 =	vld [tilespmem:s6+$0x4390]  }
0x35: {  	[tilespmem:s6+$0xC2B0] =	vst v1;
	v1 =	vmul.f32 $8.000000000e+00, v4;
	v4 =	vld [tilespmem:s6+$0x43A0]  }
0x36: {  	[tilespmem:s6+$0xC300] =	vst v0;
	v0 =	vmul.f32 $8.000000000e+00, v5;
	v5 =	vld [tilespmem:s6+$0x43B0]  }
0x37: {  	[tilespmem:s6+$0xC310] =	vst v1;
	v1 =	vmul.f32 $8.000000000e+00, v6;
	v6 =	vld [tilespmem:s6+$0x4400]  }
0x38: {  	[tilespmem:s6+$0xC320] =	vst v0;
	v0 =	vmul.f32 $8.000000000e+00, v2;
	v2 =	vld [tilespmem:s6+$0x4410]  }
0x39: {  	[tilespmem:s6+$0xC330] =	vst v1;
	v1 =	vmul.f32 $8.000000000e+00, v3;
	v3 =	vld [tilespmem:s6+$0x4420]  }
0x3a: {  	[tilespmem:s6+$0xC380] =	vst v0;
	v0 =	vmul.f32 $8.000000000e+00, v4;
	v4 =	vld [tilespmem:s6+$0x4430]  }
0x3b: {  	[tilespmem:s6+$0xC390] =	vst v1;
	v1 =	vmul.f32 $8.000000000e+00, v5;
	v5 =	vld [tilespmem:s6+$0x4480]  }
0x3c: {  	[tilespmem:s6+$0xC3A0] =	vst v0;
	v0 =	vmul.f32 $8.000000000e+00, v6;
	v6 =	vld [tilespmem:s6+$0x4490]  }
0x3d: {  	[tilespmem:s6+$0xC3B0] =	vst v1;
	v1 =	vmul.f32 $8.000000000e+00, v2;
	v2 =	vld [tilespmem:s6+$0x44A0]  }
0x3e: {  	v7 =	vld [tilespmem:s6+$0x44B0];
	[tilespmem:s6+$0xC400] =	vst v0;
	v0 =	vmul.f32 $8.000000000e+00, v3  }
0x3f: {  	[tilespmem:s6+$0xC410] =	vst v1;
	v1 =	vmul.f32 $8.000000000e+00, v4;
	v4 =	vld [tilespmem:s6+$0x4500]  }
0x40: {  	v3 =	vld [tilespmem:s6+$0x4510];
	[tilespmem:s6+$0xC420] =	vst v0;
	v5 =	vmul.f32 $8.000000000e+00, v5  }
0x41: {  	v0 =	vld [tilespmem:s6+$0x4520];
	[tilespmem:s6+$0xC430] =	vst v1;
	v6 =	vmul.f32 $8.000000000e+00, v6  }
0x42: {  	v1 =	vld [tilespmem:s6+$0x4530];
	[tilespmem:s6+$0xC480] =	vst v5;
	v5 =	vmul.f32 $8.000000000e+00, v2  }
0x43: {  	v2 =	vld [tilespmem:s6+$0x4580];
	[tilespmem:s6+$0xC490] =	vst v6;
	v6 =	vmul.f32 $8.000000000e+00, v7  }
0x44: {  	s0 =	simm.s32 $0x0;
	s15 =	simm.s32 $0x1000;
	[tilespmem:s6+$0xC4A0] =	vst v5;
	v5 =	vmul.f32 $8.000000000e+00, v4;
	v4 =	vld [tilespmem:s6+$0x4590]  }
.LBB2_4:
0x45: {  	s16 =	sshra.s32 s15, $0x2;
	s0 =	sadd.s32 $0x8, s0;
	[tilespmem:s6+$0xC4B0] =	vst v6;
	v3 =	vmul.f32 $8.000000000e+00, v3;
	v6 =	vld [tilespmem:s6+$0x45A0]  }
0x46: {  	v7 =	vld [tilespmem:s16+$0x45B0];
	p1 =	slt.u32 s0, $0x78;
	[tilespmem:s6+$0xC500] =	vst v5;
	v0 =	vmul.f32 $8.000000000e+00, v0  }
0x47: {  	v5 =	vld [tilespmem:s16+$0x4200];
	[tilespmem:s6+$0xC510] =	vst v3;
	v1 =	vmul.f32 $8.000000000e+00, v1  }
0x48: {  	v3 =	vld [tilespmem:s16+$0x4210];
	[tilespmem:s6+$0xC520] =	vst v0;
	v0 =	vmul.f32 $8.000000000e+00, v2  }
0x49: {  	v2 =	vld [tilespmem:s16+$0x4220];
	[tilespmem:s6+$0xC530] =	vst v1;
	v1 =	vmul.f32 $8.000000000e+00, v4  }
0x4a: {  	v4 =	vld [tilespmem:s16+$0x4230];
	[tilespmem:s6+$0xC580] =	vst v0;
	v0 =	vmul.f32 $8.000000000e+00, v6  }
0x4b: {  	v6 =	vld [tilespmem:s16+$0x4280];
	v7 =	vmul.f32 $8.000000000e+00, v7;
	[tilespmem:s6+$0xC590] =	vst v1  }
0x4c: {  	v1 =	vmul.f32 $8.000000000e+00, v5;
	v5 =	vld [tilespmem:s16+$0x4290];
	[tilespmem:s6+$0xC5A0] =	vst v0;
	s6 =	smov.u32 s16  }
0x4d: {  	v0 =	vmul.f32 $8.000000000e+00, v3;
	v3 =	vld [tilespmem:s6+$0x42A0];
	[tilespmem:s6+$0xC5B0] =	vst v7  }
0x4e: {  	[tilespmem:s6+$0xC200] =	vst v1;
	v1 =	vmul.f32 $8.000000000e+00, v2;
	v2 =	vld [tilespmem:s6+$0x42B0]  }
0x4f: {  	[tilespmem:s6+$0xC210] =	vst v0;
	v0 =	vmul.f32 $8.000000000e+00, v4;
	v4 =	vld [tilespmem:s6+$0x4300]  }
0x50: {  	[tilespmem:s6+$0xC220] =	vst v1;
	v1 =	vmul.f32 $8.000000000e+00, v6;
	v6 =	vld [tilespmem:s6+$0x4310]  }
0x51: {  	[tilespmem:s6+$0xC230] =	vst v0;
	v0 =	vmul.f32 $8.000000000e+00, v5;
	v5 =	vld [tilespmem:s6+$0x4320]  }
0x52: {  	[tilespmem:s6+$0xC280] =	vst v1;
	v1 =	vmul.f32 $8.000000000e+00, v3;
	v3 =	vld [tilespmem:s6+$0x4330]  }
0x53: {  	[tilespmem:s6+$0xC290] =	vst v0;
	v0 =	vmul.f32 $8.000000000e+00, v2;
	v2 =	vld [tilespmem:s6+$0x4380]  }
0x54: {  	[tilespmem:s6+$0xC2A0] =	vst v1;
	v1 =	vmul.f32 $8.000000000e+00, v4;
	v4 =	vld [tilespmem:s6+$0x4390]  }
0x55: {  	[tilespmem:s6+$0xC2B0] =	vst v0;
	v0 =	vmul.f32 $8.000000000e+00, v6;
	v6 =	vld [tilespmem:s6+$0x43A0]  }
0x56: {  	[tilespmem:s6+$0xC300] =	vst v1;
	v1 =	vmul.f32 $8.000000000e+00, v5;
	v5 =	vld [tilespmem:s6+$0x43B0]  }
0x57: {  	[tilespmem:s6+$0xC310] =	vst v0;
	v0 =	vmul.f32 $8.000000000e+00, v3;
	v3 =	vld [tilespmem:s6+$0x4400]  }
0x58: {  	[tilespmem:s6+$0xC320] =	vst v1;
	v1 =	vmul.f32 $8.000000000e+00, v2;
	v2 =	vld [tilespmem:s6+$0x4410]  }
0x59: {  	[tilespmem:s6+$0xC330] =	vst v0;
	v0 =	vmul.f32 $8.000000000e+00, v4;
	v4 =	vld [tilespmem:s6+$0x4420]  }
0x5a: {  	[tilespmem:s6+$0xC380] =	vst v1;
	v1 =	vmul.f32 $8.000000000e+00, v6;
	v6 =	vld [tilespmem:s6+$0x4430]  }
0x5b: {  	[tilespmem:s6+$0xC390] =	vst v0;
	v0 =	vmul.f32 $8.000000000e+00, v5;
	v5 =	vld [tilespmem:s6+$0x4480]  }
0x5c: {  	[tilespmem:s6+$0xC3A0] =	vst v1;
	v1 =	vmul.f32 $8.000000000e+00, v3;
	v7 =	vld [tilespmem:s6+$0x4490]  }
0x5d: {  	[tilespmem:s6+$0xC3B0] =	vst v0;
	v0 =	vmul.f32 $8.000000000e+00, v2;
	v2 =	vld [tilespmem:s6+$0x44A0]  }
0x5e: {  	[tilespmem:s6+$0xC400] =	vst v1;
	v1 =	vmul.f32 $8.000000000e+00, v4;
	v4 =	vld [tilespmem:s6+$0x44B0]  }
0x5f: {  	[tilespmem:s6+$0xC410] =	vst v0;
	v0 =	vmul.f32 $8.000000000e+00, v6;
	v8 =	vld [tilespmem:s6+$0x4500]  }
.Ltmp1:
0x60: {  	[tilespmem:s6+$0xC420] =	vst v1;
	v1 =	vmul.f32 $8.000000000e+00, v5;
	v3 =	vld [tilespmem:s6+$0x4510];
	(pc) =	sbr.rel @p1 .LBB2_4-.Ltmp1, $4  }
0x61: {  	[tilespmem:s6+$0xC430] =	vst v0;
	v5 =	vmul.f32 $8.000000000e+00, v7;
	v0 =	vld [tilespmem:s6+$0x4520]  }
0x62: {  	[tilespmem:s6+$0xC480] =	vst v1;
	v7 =	vmul.f32 $8.000000000e+00, v2;
	v1 =	vld [tilespmem:s6+$0x4530]  }
0x63: {  	[tilespmem:s6+$0xC490] =	vst v5;
	v6 =	vmul.f32 $8.000000000e+00, v4;
	v2 =	vld [tilespmem:s6+$0x4580]  }
0x64: {  	s15 =	sadd.s32 $0x1000, s15;
	[tilespmem:s6+$0xC4A0] =	vst v7;
	v5 =	vmul.f32 $8.000000000e+00, v8;
	v4 =	vld [tilespmem:s6+$0x4590]  }
0x65: {  	[tilespmem:s6+$0xC4B0] =	vst v6;
	v3 =	vmul.f32 $8.000000000e+00, v3;
	v60 =	vld [tilespmem:s6+$0x45A0]  }
0x66: {  	[tilespmem:s6+$0xC500] =	vst v5;
	v0 =	vmul.f32 $8.000000000e+00, v0  }
0x67: {  	[tilespmem:s6+$0xC510] =	vst v3;
	v1 =	vmul.f32 $8.000000000e+00, v1  }
0x68: {  	[tilespmem:s6+$0xC520] =	vst v0;
	v61 =	vmul.f32 $8.000000000e+00, v2  }
0x69: {  	[tilespmem:s6+$0xC530] =	vst v1;
	v62 =	vmul.f32 $8.000000000e+00, v4  }
0x6a: {  	[tilespmem:s6+$0xC580] =	vst v61;
	v63 =	vmul.f32 $8.000000000e+00, v60  }
0x6b: {  	[tilespmem:s6+$0xC590] =	vst v62  }
0x6c: {  	[tilespmem:s6+$0xC5A0] =	vst v63  }
0x6d: {  	s0 =	sshll.u32 s9, $0xD;
	s5 =	rddreg [dreg:$0x9]  }
0x6e: {  	s30 =	simm.s32 $0xC200;
	s0 =	sadd.s32 s5, s0  }
0x6f: {  	[hbm4b:s0+s4] =	stream.linear.scatter [tilespmem:s30], [sflag:$0x8], $0x4000, $0x38;
	[tilespmem:$0x10200] =	vst v63  }
.LBB2_6:
0x70: {  	_ =	swait.ge [sflag:s21], $0x80  }
0x71: {  	[sflag:s21] =	ssyncset.done $0x0  }
0x72: {  	s0 =	simm.s32 @!p0 $0x8;
	[sflag:s21] =	ssyncadd.s32 $0xFFFFFF80  }
0x73: {  	s15 =	sshll.u32 s9, $0x9;
	_ =	swait.ge @!p0 [sflag:s0], $0x4000  }
0x74: {  	s16 =	sadd.s32 s15, s11;
	[sflag:s0] =	ssyncset.done @!p0 $0x0  }
0x75: {  	[sflag:s0] =	ssyncadd.s32 @!p0 $0xFFFFC000;
	s0 =	sshrl.u32 s16, $0x3  }
0x76: {  	[tilespmem:s22], [sflag:$0x6] =	stream.indirect.gather [hbm4b:s3+s17], $0x80, s17, s17, $0xb8;
	[tilespmem:$0x10200] =	vst v63  }
0x77: {  	s0 =	sadd.s32 s1, s0  }
0x78: {  	[tilespmem:s23], [sflag:$0x4] =	stream.linear.gather [hbm4b:s0+s4], $0x80, $0x38;
	[tilespmem:$0x10200] =	vst v63  }
0x79: {  	_ =	swait.ge [sflag:s24], $0x4000  }
0x7a: {  	[sflag:s24] =	ssyncset.done $0x0  }
0x7b: {  	s30 =	simm.s32 $0x400;
	[sflag:s24] =	ssyncadd.s32 $0xFFFFC000  }
0x7c: {  	v0 =	vld [tilespmem:s30+$0x180]  }
0x7d: {  	v1 =	vld [tilespmem:s30+$0xFFFFFE80]  }
0x7e: {  	v2 =	vld [tilespmem:s30+$0xFFFFFF00]  }
0x7f: {  	v3 =	vld [tilespmem:s30+$0xFFFFFF80]  }
0x80: {  	v4 =	vld [tilespmem:s30+$0x0]  }
0x81: {  	v5 =	vld [tilespmem:s30+$0x80];
	v0 =	vmul.f32 $8.000000000e+00, v0  }
0x82: {  	s0 =	simm.s32 $0x8400;
	v6 =	vld [tilespmem:s30+$0x100];
	v1 =	vmul.f32 $8.000000000e+00, v1  }
0x83: {  	v7 =	vld [tilespmem:s30+$0xFFFFFE00];
	v2 =	vmul.f32 $8.000000000e+00, v2;
	[tilespmem:s0+$0x180] =	vst v0  }
0x84: {  	[tilespmem:s0+$0xFFFFFE80] =	vst v1;
	v0 =	vmul.f32 $8.000000000e+00, v3;
	v1 =	vld [tilespmem:s30+$0x190]  }
0x85: {  	[tilespmem:s0+$0xFFFFFF00] =	vst v2;
	v2 =	vmul.f32 $8.000000000e+00, v4;
	v3 =	vld [tilespmem:s30+$0xFFFFFE90]  }
0x86: {  	v4 =	vld [tilespmem:s30+$0xFFFFFF10];
	[tilespmem:s0+$0xFFFFFF80] =	vst v0;
	v0 =	vmul.f32 $8.000000000e+00, v5  }
0x87: {  	[tilespmem:s0+$0x0] =	vst v2;
	v2 =	vmul.f32 $8.000000000e+00, v6;
	v5 =	vld [tilespmem:s30+$0xFFFFFF90]  }
0x88: {  	v6 =	vmul.f32 $8.000000000e+00, v7;
	v7 =	vld [tilespmem:s30+$0x10];
	[tilespmem:s0+$0x80] =	vst v0  }
0x89: {  	[tilespmem:s0+$0x100] =	vst v2;
	v0 =	vld [tilespmem:s30+$0x90];
	v1 =	vmul.f32 $8.000000000e+00, v1  }
0x8a: {  	[tilespmem:s0+$0xFFFFFE00] =	vst v6;
	v2 =	vmul.f32 $8.000000000e+00, v3;
	v3 =	vld [tilespmem:s30+$0x110]  }
0x8b: {  	v6 =	vld [tilespmem:s30+$0xFFFFFE10];
	v4 =	vmul.f32 $8.000000000e+00, v4;
	[tilespmem:s0+$0x190] =	vst v1  }
0x8c: {  	[tilespmem:s0+$0xFFFFFE90] =	vst v2;
	v1 =	vmul.f32 $8.000000000e+00, v5;
	v2 =	vld [tilespmem:s30+$0x1A0]  }
0x8d: {  	[tilespmem:s0+$0xFFFFFF10] =	vst v4;
	v4 =	vmul.f32 $8.000000000e+00, v7;
	v5 =	vld [tilespmem:s30+$0xFFFFFEA0]  }
0x8e: {  	v7 =	vld [tilespmem:s30+$0xFFFFFF20];
	[tilespmem:s0+$0xFFFFFF90] =	vst v1;
	v0 =	vmul.f32 $8.000000000e+00, v0  }
0x8f: {  	[tilespmem:s0+$0x10] =	vst v4;
	v1 =	vld [tilespmem:s30+$0xFFFFFFA0];
	v3 =	vmul.f32 $8.000000000e+00, v3  }
0x90: {  	v4 =	vmul.f32 $8.000000000e+00, v6;
	v6 =	vld [tilespmem:s30+$0x20];
	[tilespmem:s0+$0x90] =	vst v0  }
0x91: {  	v0 =	vld [tilespmem:s30+$0xA0];
	[tilespmem:s0+$0x110] =	vst v3;
	v2 =	vmul.f32 $8.000000000e+00, v2  }
0x92: {  	[tilespmem:s0+$0xFFFFFE10] =	vst v4;
	v3 =	vmul.f32 $8.000000000e+00, v5;
	v4 =	vld [tilespmem:s30+$0x120]  }
0x93: {  	v5 =	vld [tilespmem:s30+$0xFFFFFE20];
	v7 =	vmul.f32 $8.000000000e+00, v7;
	[tilespmem:s0+$0x1A0] =	vst v2  }
0x94: {  	[tilespmem:s0+$0xFFFFFEA0] =	vst v3;
	v1 =	vmul.f32 $8.000000000e+00, v1  }
0x95: {  	[tilespmem:s0+$0xFFFFFF20] =	vst v7;
	v2 =	vmul.f32 $8.000000000e+00, v6;
	v3 =	vld [tilespmem:s30+$0x1B0]  }
0x96: {  	v8 =	vld [tilespmem:s30+$0xFFFFFEB0];
	[tilespmem:s0+$0xFFFFFFA0] =	vst v1;
	v1 =	vmul.f32 $8.000000000e+00, v0  }
0x97: {  	v7 =	vld [tilespmem:s30+$0xFFFFFF30];
	[tilespmem:s0+$0x20] =	vst v2;
	v4 =	vmul.f32 $8.000000000e+00, v4  }
0x98: {  	v0 =	vld [tilespmem:s30+$0xFFFFFFB0];
	v5 =	vmul.f32 $8.000000000e+00, v5;
	[tilespmem:s0+$0xA0] =	vst v1  }
0x99: {  	v2 =	vld [tilespmem:s30+$0x30];
	[tilespmem:s0+$0x120] =	vst v4  }
0x9a: {  	v1 =	vld [tilespmem:s30+$0xB0];
	[tilespmem:s0+$0xFFFFFE20] =	vst v5;
	v9 =	vmul.f32 $8.000000000e+00, v3  }
0x9b: {  	v3 =	vld [tilespmem:s30+$0x130];
	s5 =	rddreg [dreg:$0x6];
	v6 =	vmul.f32 $8.000000000e+00, v8  }
0x9c: {  	s16 =	simm.s32 $0x0;
	v4 =	vld [tilespmem:s30+$0xFFFFFE30];
	v5 =	vmul.f32 $8.000000000e+00, v7;
	s30 =	simm.s32 $0x800;
	s6 =	sadd.s32 s15, s5;
	[tilespmem:s0+$0x1B0] =	vst v9  }
.LBB2_7:
0x9d: {  	v7 =	vld [tilespmem:s30+$0x180];
	s16 =	sadd.s32 $0x8, s16;
	[tilespmem:s0+$0xFFFFFEB0] =	vst v6;
	v0 =	vmul.f32 $8.000000000e+00, v0  }
0x9e: {  	v6 =	vld [tilespmem:s30+$0xFFFFFE80];
	p0 =	slt.u32 s16, $0x78;
	[tilespmem:s0+$0xFFFFFF30] =	vst v5;
	v2 =	vmul.f32 $8.000000000e+00, v2  }
0x9f: {  	v5 =	vld [tilespmem:s30+$0xFFFFFF00];
	[tilespmem:s0+$0xFFFFFFB0] =	vst v0;
	v0 =	vmul.f32 $8.000000000e+00, v1  }
0xa0: {  	v1 =	vld [tilespmem:s30+$0xFFFFFF80];
	[tilespmem:s0+$0x30] =	vst v2;
	v2 =	vmul.f32 $8.000000000e+00, v3  }
0xa1: {  	v3 =	vld [tilespmem:s30+$0x0];
	v4 =	vmul.f32 $8.000000000e+00, v4;
	[tilespmem:s0+$0xB0] =	vst v0  }
0xa2: {  	v0 =	vld [tilespmem:s30+$0x80];
	v7 =	vmul.f32 $8.000000000e+00, v7;
	[tilespmem:s0+$0x130] =	vst v2  }
0xa3: {  	v2 =	vmul.f32 $8.000000000e+00, v6;
	v6 =	vld [tilespmem:s30+$0x100];
	[tilespmem:s0+$0xFFFFFE30] =	vst v4;
	s0 =	sadd.s32 $0x400, s0  }
0xa4: {  	v4 =	vld [tilespmem:s30+$0xFFFFFE00];
	v5 =	vmul.f32 $8.000000000e+00, v5;
	[tilespmem:s0+$0x180] =	vst v7  }
0xa5: {  	[tilespmem:s0+$0xFFFFFE80] =	vst v2;
	v1 =	vmul.f32 $8.000000000e+00, v1;
	v2 =	vld [tilespmem:s30+$0x190]  }
0xa6: {  	v7 =	vld [tilespmem:s30+$0xFFFFFE90];
	[tilespmem:s0+$0xFFFFFF00] =	vst v5;
	v3 =	vmul.f32 $8.000000000e+00, v3  }
0xa7: {  	v5 =	vld [tilespmem:s30+$0xFFFFFF10];
	[tilespmem:s0+$0xFFFFFF80] =	vst v1;
	v0 =	vmul.f32 $8.000000000e+00, v0  }
0xa8: {  	v1 =	vld [tilespmem:s30+$0xFFFFFF90];
	[tilespmem:s0+$0x0] =	vst v3;
	v3 =	vmul.f32 $8.000000000e+00, v6  }
0xa9: {  	v4 =	vmul.f32 $8.000000000e+00, v4;
	v6 =	vld [tilespmem:s30+$0x10];
	[tilespmem:s0+$0x80] =	vst v0  }
0xaa: {  	v0 =	vld [tilespmem:s30+$0x90];
	[tilespmem:s0+$0x100] =	vst v3;
	v2 =	vmul.f32 $8.000000000e+00, v2  }
0xab: {  	[tilespmem:s0+$0xFFFFFE00] =	vst v4;
	v3 =	vmul.f32 $8.000000000e+00, v7;
	v4 =	vld [tilespmem:s30+$0x110]  }
0xac: {  	v7 =	vld [tilespmem:s30+$0xFFFFFE10];
	v5 =	vmul.f32 $8.000000000e+00, v5;
	[tilespmem:s0+$0x190] =	vst v2  }
0xad: {  	[tilespmem:s0+$0xFFFFFE90] =	vst v3;
	v1 =	vmul.f32 $8.000000000e+00, v1;
	v2 =	vld [tilespmem:s30+$0x1A0]  }
0xae: {  	v3 =	vld [tilespmem:s30+$0xFFFFFEA0];
	[tilespmem:s0+$0xFFFFFF10] =	vst v5;
	v5 =	vmul.f32 $8.000000000e+00, v6  }
0xaf: {  	v6 =	vld [tilespmem:s30+$0xFFFFFF20];
	[tilespmem:s0+$0xFFFFFF90] =	vst v1;
	v0 =	vmul.f32 $8.000000000e+00, v0  }
0xb0: {  	v1 =	vld [tilespmem:s30+$0xFFFFFFA0];
	[tilespmem:s0+$0x10] =	vst v5;
	v4 =	vmul.f32 $8.000000000e+00, v4  }
0xb1: {  	v5 =	vmul.f32 $8.000000000e+00, v7;
	v7 =	vld [tilespmem:s30+$0x20];
	[tilespmem:s0+$0x90] =	vst v0  }
0xb2: {  	v0 =	vld [tilespmem:s30+$0xA0];
	[tilespmem:s0+$0x110] =	vst v4;
	v2 =	vmul.f32 $8.000000000e+00, v2  }
0xb3: {  	[tilespmem:s0+$0xFFFFFE10] =	vst v5;
	v3 =	vmul.f32 $8.000000000e+00, v3;
	v4 =	vld [tilespmem:s30+$0x120]  }
0xb4: {  	v5 =	vld [tilespmem:s30+$0xFFFFFE20];
	v6 =	vmul.f32 $8.000000000e+00, v6;
	[tilespmem:s0+$0x1A0] =	vst v2  }
0xb5: {  	[tilespmem:s0+$0xFFFFFEA0] =	vst v3;
	v1 =	vmul.f32 $8.000000000e+00, v1;
	v3 =	vld [tilespmem:s30+$0x1B0]  }
0xb6: {  	v8 =	vld [tilespmem:s30+$0xFFFFFEB0];
	[tilespmem:s0+$0xFFFFFF20] =	vst v6;
	v2 =	vmul.f32 $8.000000000e+00, v7  }
0xb7: {  	v7 =	vld [tilespmem:s30+$0xFFFFFF30];
	[tilespmem:s0+$0xFFFFFFA0] =	vst v1;
	v1 =	vmul.f32 $8.000000000e+00, v0  }
.Ltmp2:
0xb8: {  	v0 =	vld [tilespmem:s30+$0xFFFFFFB0];
	[tilespmem:s0+$0x20] =	vst v2;
	v4 =	vmul.f32 $8.000000000e+00, v4;
	(pc) =	sbr.rel @p0 .LBB2_7-.Ltmp2, $4  }
0xb9: {  	v5 =	vmul.f32 $8.000000000e+00, v5;
	v2 =	vld [tilespmem:s30+$0x30];
	[tilespmem:s0+$0xA0] =	vst v1  }
0xba: {  	v1 =	vld [tilespmem:s30+$0xB0];
	[tilespmem:s0+$0x120] =	vst v4;
	v9 =	vmul.f32 $8.000000000e+00, v3  }
0xbb: {  	[tilespmem:s0+$0xFFFFFE20] =	vst v5;
	v6 =	vmul.f32 $8.000000000e+00, v8;
	v3 =	vld [tilespmem:s30+$0x130]  }
0xbc: {  	v4 =	vld [tilespmem:s30+$0xFFFFFE30];
	v5 =	vmul.f32 $8.000000000e+00, v7;
	[tilespmem:s0+$0x1B0] =	vst v9;
	s30 =	sadd.s32 $0x400, s30  }
0xbd: {  	[tilespmem:s0+$0xFFFFFEB0] =	vst v6;
	v0 =	vmul.f32 $8.000000000e+00, v0  }
0xbe: {  	[tilespmem:s0+$0xFFFFFF30] =	vst v5;
	v2 =	vmul.f32 $8.000000000e+00, v2  }
0xbf: {  	[tilespmem:s0+$0xFFFFFFB0] =	vst v0;
	v0 =	vmul.f32 $8.000000000e+00, v1  }
0xc0: {  	s16 =	sshll.u32 s9, $0x10;
	[tilespmem:s0+$0x30] =	vst v2;
	v1 =	vmul.f32 $8.000000000e+00, v3  }
0xc1: {  	s16 =	sadd.s32 s7, s16;
	v2 =	vmul.f32 $8.000000000e+00, v4;
	[tilespmem:s0+$0xB0] =	vst v0  }
0xc2: {  	s16 =	sshrl.u32 s16, $0x3;
	[tilespmem:s0+$0x130] =	vst v1  }
0xc3: {  	s16 =	sadd.s32 s8, s16;
	[tilespmem:s0+$0xFFFFFE30] =	vst v2  }
0xc4: {  	[hbm4b:s16+s4] =	stream.linear.scatter [tilespmem:s25], [sflag:$0x7], $0x4000, $0x38;
	[tilespmem:$0x10200] =	vst v63  }
0xc5: {  	_ =	swait.ge [sflag:s26], $0x80  }
0xc6: {  	[sflag:s26] =	ssyncset.done $0x0  }
0xc7: {  	[sflag:s26] =	ssyncadd.s32 $0xFFFFFF80  }
0xc8: {  	p0 =	seq.s32 s9, $0x31;
	_ =	swait.ge [sflag:s28], $0x4000  }
0xc9: {  	s0 =	sadd.s32 @!p0 s15, s12;
	[sflag:s28] =	ssyncset.done $0x0  }
0xca: {  	s0 =	sshrl.u32 @!p0 s0, $0x3;
	[sflag:s28] =	ssyncadd.s32 $0xFFFFC000  }
0xcb: {  	[tilespmem:s19], [sflag:$0x5] =	stream.indirect.gather [hbm4b:s3+s17], $0x80, s20, s17, $0xb8;
	[tilespmem:$0x10200] =	vst v63  }
0xcc: {  	s16 =	simm.s32 @!p0 $0x0;
	s0 =	sadd.s32 @!p0 s1, s0  }
0xcd: {  	[tilespmem:s16], [sflag:$0x1] =	stream.linear.gather @!p0 [hbm4b:s0+s16], $0x80, $0x38;
	[tilespmem:$0x10200] =	vst v63  }
0xce: {  	_ =	swait.ge [sflag:s29], $0x4000  }
0xcf: {  	[sflag:s29] =	ssyncset.done $0x0  }
0xd0: {  	s0 =	simm.s32 $0x0;
	[sflag:s29] =	ssyncadd.s32 $0xFFFFC000  }
0xd1: {  	v0 =	vld [tilespmem:s0+$0x45B0]  }
0xd2: {  	v1 =	vld [tilespmem:s0+$0x4200]  }
0xd3: {  	v2 =	vld [tilespmem:s0+$0x4210]  }
0xd4: {  	v3 =	vld [tilespmem:s0+$0x4220]  }
0xd5: {  	v4 =	vld [tilespmem:s0+$0x4230]  }
0xd6: {  	v5 =	vld [tilespmem:s0+$0x4280];
	v0 =	vmul.f32 $8.000000000e+00, v0  }
0xd7: {  	v6 =	vld [tilespmem:s0+$0x4290];
	v1 =	vmul.f32 $8.000000000e+00, v1  }
0xd8: {  	v7 =	vld [tilespmem:s0+$0x42A0];
	v2 =	vmul.f32 $8.000000000e+00, v2;
	[tilespmem:s0+$0xC5B0] =	vst v0  }
0xd9: {  	[tilespmem:s0+$0xC200] =	vst v1;
	v0 =	vmul.f32 $8.000000000e+00, v3;
	v1 =	vld [tilespmem:s0+$0x42B0]  }
0xda: {  	[tilespmem:s0+$0xC210] =	vst v2;
	v2 =	vmul.f32 $8.000000000e+00, v4;
	v3 =	vld [tilespmem:s0+$0x4300]  }
0xdb: {  	v4 =	vld [tilespmem:s0+$0x4310];
	[tilespmem:s0+$0xC220] =	vst v0;
	v0 =	vmul.f32 $8.000000000e+00, v5  }
0xdc: {  	[tilespmem:s0+$0xC230] =	vst v2;
	v2 =	vmul.f32 $8.000000000e+00, v6;
	v5 =	vld [tilespmem:s0+$0x4320]  }
0xdd: {  	v6 =	vld [tilespmem:s0+$0x4330];
	[tilespmem:s0+$0xC280] =	vst v0;
	v0 =	vmul.f32 $8.000000000e+00, v7  }
0xde: {  	[tilespmem:s0+$0xC290] =	vst v2;
	v2 =	vld [tilespmem:s0+$0x4380];
	v1 =	vmul.f32 $8.000000000e+00, v1  }
0xdf: {  	[tilespmem:s0+$0xC2A0] =	vst v0;
	v0 =	vmul.f32 $8.000000000e+00, v3;
	v3 =	vld [tilespmem:s0+$0x4390]  }
0xe0: {  	[tilespmem:s0+$0xC2B0] =	vst v1;
	v1 =	vmul.f32 $8.000000000e+00, v4;
	v4 =	vld [tilespmem:s0+$0x43A0]  }
0xe1: {  	[tilespmem:s0+$0xC300] =	vst v0;
	v0 =	vmul.f32 $8.000000000e+00, v5;
	v5 =	vld [tilespmem:s0+$0x43B0]  }
0xe2: {  	[tilespmem:s0+$0xC310] =	vst v1;
	v1 =	vmul.f32 $8.000000000e+00, v6;
	v6 =	vld [tilespmem:s0+$0x4400]  }
0xe3: {  	[tilespmem:s0+$0xC320] =	vst v0;
	v0 =	vmul.f32 $8.000000000e+00, v2;
	v2 =	vld [tilespmem:s0+$0x4410]  }
0xe4: {  	[tilespmem:s0+$0xC330] =	vst v1;
	v1 =	vmul.f32 $8.000000000e+00, v3;
	v3 =	vld [tilespmem:s0+$0x4420]  }
0xe5: {  	[tilespmem:s0+$0xC380] =	vst v0;
	v0 =	vmul.f32 $8.000000000e+00, v4;
	v4 =	vld [tilespmem:s0+$0x4430]  }
0xe6: {  	[tilespmem:s0+$0xC390] =	vst v1;
	v1 =	vmul.f32 $8.000000000e+00, v5;
	v5 =	vld [tilespmem:s0+$0x4480]  }
0xe7: {  	[tilespmem:s0+$0xC3A0] =	vst v0;
	v0 =	vmul.f32 $8.000000000e+00, v6;
	v6 =	vld [tilespmem:s0+$0x4490]  }
0xe8: {  	[tilespmem:s0+$0xC3B0] =	vst v1;
	v1 =	vmul.f32 $8.000000000e+00, v2;
	v2 =	vld [tilespmem:s0+$0x44A0]  }
0xe9: {  	v7 =	vld [tilespmem:s0+$0x44B0];
	[tilespmem:s0+$0xC400] =	vst v0;
	v0 =	vmul.f32 $8.000000000e+00, v3  }
0xea: {  	[tilespmem:s0+$0xC410] =	vst v1;
	v1 =	vmul.f32 $8.000000000e+00, v4;
	v4 =	vld [tilespmem:s0+$0x4500]  }
0xeb: {  	v3 =	vld [tilespmem:s0+$0x4510];
	[tilespmem:s0+$0xC420] =	vst v0;
	v5 =	vmul.f32 $8.000000000e+00, v5  }
0xec: {  	v0 =	vld [tilespmem:s0+$0x4520];
	[tilespmem:s0+$0xC430] =	vst v1;
	v6 =	vmul.f32 $8.000000000e+00, v6  }
0xed: {  	v1 =	vld [tilespmem:s0+$0x4530];
	[tilespmem:s0+$0xC480] =	vst v5;
	v5 =	vmul.f32 $8.000000000e+00, v2  }
0xee: {  	v2 =	vld [tilespmem:s0+$0x4580];
	[tilespmem:s0+$0xC490] =	vst v6;
	v6 =	vmul.f32 $8.000000000e+00, v7  }
0xef: {  	s30 =	simm.s32 $0x1000;
	s16 =	simm.s32 $0x0;
	[tilespmem:s0+$0xC4A0] =	vst v5;
	v5 =	vmul.f32 $8.000000000e+00, v4;
	v4 =	vld [tilespmem:s0+$0x4590]  }
.LBB2_9:
0xf0: {  	s5 =	sshra.s32 s30, $0x2;
	s16 =	sadd.s32 $0x8, s16;
	[tilespmem:s0+$0xC4B0] =	vst v6;
	v3 =	vmul.f32 $8.000000000e+00, v3;
	v6 =	vld [tilespmem:s0+$0x45A0]  }
0xf1: {  	v7 =	vld [tilespmem:s5+$0x45B0];
	p1 =	slt.u32 s16, $0x78;
	[tilespmem:s0+$0xC500] =	vst v5;
	v0 =	vmul.f32 $8.000000000e+00, v0  }
0xf2: {  	v5 =	vld [tilespmem:s5+$0x4200];
	[tilespmem:s0+$0xC510] =	vst v3;
	v1 =	vmul.f32 $8.000000000e+00, v1  }
0xf3: {  	v3 =	vld [tilespmem:s5+$0x4210];
	[tilespmem:s0+$0xC520] =	vst v0;
	v0 =	vmul.f32 $8.000000000e+00, v2  }
0xf4: {  	v2 =	vld [tilespmem:s5+$0x4220];
	[tilespmem:s0+$0xC530] =	vst v1;
	v1 =	vmul.f32 $8.000000000e+00, v4  }
0xf5: {  	v4 =	vld [tilespmem:s5+$0x4230];
	[tilespmem:s0+$0xC580] =	vst v0;
	v0 =	vmul.f32 $8.000000000e+00, v6  }
0xf6: {  	v6 =	vld [tilespmem:s5+$0x4280];
	v7 =	vmul.f32 $8.000000000e+00, v7;
	[tilespmem:s0+$0xC590] =	vst v1  }
0xf7: {  	v1 =	vmul.f32 $8.000000000e+00, v5;
	v5 =	vld [tilespmem:s5+$0x4290];
	[tilespmem:s0+$0xC5A0] =	vst v0;
	s0 =	smov.u32 s5  }
0xf8: {  	v0 =	vmul.f32 $8.000000000e+00, v3;
	v3 =	vld [tilespmem:s0+$0x42A0];
	[tilespmem:s0+$0xC5B0] =	vst v7  }
0xf9: {  	[tilespmem:s0+$0xC200] =	vst v1;
	v1 =	vmul.f32 $8.000000000e+00, v2;
	v2 =	vld [tilespmem:s0+$0x42B0]  }
0xfa: {  	[tilespmem:s0+$0xC210] =	vst v0;
	v0 =	vmul.f32 $8.000000000e+00, v4;
	v4 =	vld [tilespmem:s0+$0x4300]  }
0xfb: {  	[tilespmem:s0+$0xC220] =	vst v1;
	v1 =	vmul.f32 $8.000000000e+00, v6;
	v6 =	vld [tilespmem:s0+$0x4310]  }
0xfc: {  	[tilespmem:s0+$0xC230] =	vst v0;
	v0 =	vmul.f32 $8.000000000e+00, v5;
	v5 =	vld [tilespmem:s0+$0x4320]  }
0xfd: {  	[tilespmem:s0+$0xC280] =	vst v1;
	v1 =	vmul.f32 $8.000000000e+00, v3;
	v3 =	vld [tilespmem:s0+$0x4330]  }
0xfe: {  	[tilespmem:s0+$0xC290] =	vst v0;
	v0 =	vmul.f32 $8.000000000e+00, v2;
	v2 =	vld [tilespmem:s0+$0x4380]  }
0xff: {  	[tilespmem:s0+$0xC2A0] =	vst v1;
	v1 =	vmul.f32 $8.000000000e+00, v4;
	v4 =	vld [tilespmem:s0+$0x4390]  }
0x100: {  	[tilespmem:s0+$0xC2B0] =	vst v0;
	v0 =	vmul.f32 $8.000000000e+00, v6;
	v6 =	vld [tilespmem:s0+$0x43A0]  }
0x101: {  	[tilespmem:s0+$0xC300] =	vst v1;
	v1 =	vmul.f32 $8.000000000e+00, v5;
	v5 =	vld [tilespmem:s0+$0x43B0]  }
0x102: {  	[tilespmem:s0+$0xC310] =	vst v0;
	v0 =	vmul.f32 $8.000000000e+00, v3;
	v3 =	vld [tilespmem:s0+$0x4400]  }
0x103: {  	[tilespmem:s0+$0xC320] =	vst v1;
	v1 =	vmul.f32 $8.000000000e+00, v2;
	v2 =	vld [tilespmem:s0+$0x4410]  }
0x104: {  	[tilespmem:s0+$0xC330] =	vst v0;
	v0 =	vmul.f32 $8.000000000e+00, v4;
	v4 =	vld [tilespmem:s0+$0x4420]  }
0x105: {  	[tilespmem:s0+$0xC380] =	vst v1;
	v1 =	vmul.f32 $8.000000000e+00, v6;
	v6 =	vld [tilespmem:s0+$0x4430]  }
0x106: {  	[tilespmem:s0+$0xC390] =	vst v0;
	v0 =	vmul.f32 $8.000000000e+00, v5;
	v5 =	vld [tilespmem:s0+$0x4480]  }
0x107: {  	[tilespmem:s0+$0xC3A0] =	vst v1;
	v1 =	vmul.f32 $8.000000000e+00, v3;
	v7 =	vld [tilespmem:s0+$0x4490]  }
0x108: {  	[tilespmem:s0+$0xC3B0] =	vst v0;
	v0 =	vmul.f32 $8.000000000e+00, v2;
	v2 =	vld [tilespmem:s0+$0x44A0]  }
0x109: {  	[tilespmem:s0+$0xC400] =	vst v1;
	v1 =	vmul.f32 $8.000000000e+00, v4;
	v4 =	vld [tilespmem:s0+$0x44B0]  }
0x10a: {  	[tilespmem:s0+$0xC410] =	vst v0;
	v0 =	vmul.f32 $8.000000000e+00, v6;
	v8 =	vld [tilespmem:s0+$0x4500]  }
.Ltmp3:
0x10b: {  	[tilespmem:s0+$0xC420] =	vst v1;
	v1 =	vmul.f32 $8.000000000e+00, v5;
	v3 =	vld [tilespmem:s0+$0x4510];
	(pc) =	sbr.rel @p1 .LBB2_9-.Ltmp3, $4  }
0x10c: {  	[tilespmem:s0+$0xC430] =	vst v0;
	v5 =	vmul.f32 $8.000000000e+00, v7;
	v0 =	vld [tilespmem:s0+$0x4520]  }
0x10d: {  	[tilespmem:s0+$0xC480] =	vst v1;
	v7 =	vmul.f32 $8.000000000e+00, v2;
	v1 =	vld [tilespmem:s0+$0x4530]  }
0x10e: {  	[tilespmem:s0+$0xC490] =	vst v5;
	v6 =	vmul.f32 $8.000000000e+00, v4;
	v2 =	vld [tilespmem:s0+$0x4580]  }
0x10f: {  	s30 =	sadd.s32 $0x1000, s30;
	[tilespmem:s0+$0xC4A0] =	vst v7;
	v5 =	vmul.f32 $8.000000000e+00, v8;
	v4 =	vld [tilespmem:s0+$0x4590]  }
0x110: {  	[tilespmem:s0+$0xC4B0] =	vst v6;
	v3 =	vmul.f32 $8.000000000e+00, v3;
	v6 =	vld [tilespmem:s0+$0x45A0]  }
0x111: {  	[tilespmem:s0+$0xC500] =	vst v5;
	v0 =	vmul.f32 $8.000000000e+00, v0  }
0x112: {  	[tilespmem:s0+$0xC510] =	vst v3;
	v1 =	vmul.f32 $8.000000000e+00, v1  }
0x113: {  	[tilespmem:s0+$0xC520] =	vst v0;
	v0 =	vmul.f32 $8.000000000e+00, v2  }
0x114: {  	[tilespmem:s0+$0xC530] =	vst v1;
	v1 =	vmul.f32 $8.000000000e+00, v4  }
0x115: {  	[tilespmem:s0+$0xC580] =	vst v0;
	v0 =	vmul.f32 $8.000000000e+00, v6  }
0x116: {  	s5 =	sshll.u32 s6, $0x4;
	[tilespmem:s0+$0xC590] =	vst v1  }
0x117: {  	s16 =	simm.s32 $0xC200;
	s6 =	sadd.s32 s8, s5;
	[tilespmem:s0+$0xC5A0] =	vst v0  }
0x118: {  	[hbm4b:s6+s4] =	stream.linear.scatter [tilespmem:s16], [sflag:$0x8], $0x4000, $0x38;
	[tilespmem:$0x10200] =	vst v63  }
0x119: {  	_ =	swait.ge [sflag:s31], $0x80  }
0x11a: {  	[sflag:s31] =	ssyncset.done $0x0  }
0x11b: {  	[sflag:s31] =	ssyncadd.s32 $0xFFFFFF80  }
0x11c: {  	_ =	swait.ge [sflag:s2], $0x4000  }
0x11d: {  	s0 =	sadd.s32 @!p0 s15, s13;
	[sflag:s2] =	ssyncset.done $0x0  }
0x11e: {  	s0 =	sshrl.u32 @!p0 s0, $0x3;
	[sflag:s2] =	ssyncadd.s32 $0xFFFFC000  }
0x11f: {  	[tilespmem:s22], [sflag:$0x6] =	stream.indirect.gather [hbm4b:s3+s17], $0x80, s23, s17, $0xb8;
	[tilespmem:$0x10200] =	vst v63  }
0x120: {  	s5 =	simm.s32 @!p0 $0x0;
	s6 =	simm.s32 @!p0 $0x80;
	s0 =	sadd.s32 @!p0 s1, s0  }
0x121: {  	[tilespmem:s6], [sflag:$0x2] =	stream.linear.gather @!p0 [hbm4b:s0+s5], $0x80, $0x38;
	[tilespmem:$0x10200] =	vst v63  }
0x122: {  	_ =	swait.ge [sflag:s24], $0x4000  }
0x123: {  	[sflag:s24] =	ssyncset.done $0x0  }
0x124: {  	s30 =	simm.s32 $0x400;
	[sflag:s24] =	ssyncadd.s32 $0xFFFFC000  }
0x125: {  	v0 =	vld [tilespmem:s30+$0x180]  }
0x126: {  	v1 =	vld [tilespmem:s30+$0xFFFFFE80]  }
0x127: {  	v2 =	vld [tilespmem:s30+$0xFFFFFF00]  }
0x128: {  	v3 =	vld [tilespmem:s30+$0xFFFFFF80]  }
0x129: {  	v4 =	vld [tilespmem:s30+$0x0]  }
0x12a: {  	v5 =	vld [tilespmem:s30+$0x80];
	v0 =	vmul.f32 $8.000000000e+00, v0  }
0x12b: {  	s0 =	simm.s32 $0x8400;
	v6 =	vld [tilespmem:s30+$0x100];
	v1 =	vmul.f32 $8.000000000e+00, v1  }
0x12c: {  	v7 =	vld [tilespmem:s30+$0xFFFFFE00];
	v2 =	vmul.f32 $8.000000000e+00, v2;
	[tilespmem:s0+$0x180] =	vst v0  }
0x12d: {  	[tilespmem:s0+$0xFFFFFE80] =	vst v1;
	v0 =	vmul.f32 $8.000000000e+00, v3;
	v1 =	vld [tilespmem:s30+$0x190]  }
0x12e: {  	[tilespmem:s0+$0xFFFFFF00] =	vst v2;
	v2 =	vmul.f32 $8.000000000e+00, v4;
	v3 =	vld [tilespmem:s30+$0xFFFFFE90]  }
0x12f: {  	v4 =	vld [tilespmem:s30+$0xFFFFFF10];
	[tilespmem:s0+$0xFFFFFF80] =	vst v0;
	v0 =	vmul.f32 $8.000000000e+00, v5  }
0x130: {  	[tilespmem:s0+$0x0] =	vst v2;
	v2 =	vmul.f32 $8.000000000e+00, v6;
	v5 =	vld [tilespmem:s30+$0xFFFFFF90]  }
0x131: {  	v6 =	vmul.f32 $8.000000000e+00, v7;
	v7 =	vld [tilespmem:s30+$0x10];
	[tilespmem:s0+$0x80] =	vst v0  }
0x132: {  	[tilespmem:s0+$0x100] =	vst v2;
	v0 =	vld [tilespmem:s30+$0x90];
	v1 =	vmul.f32 $8.000000000e+00, v1  }
0x133: {  	[tilespmem:s0+$0xFFFFFE00] =	vst v6;
	v2 =	vmul.f32 $8.000000000e+00, v3;
	v3 =	vld [tilespmem:s30+$0x110]  }
0x134: {  	v6 =	vld [tilespmem:s30+$0xFFFFFE10];
	v4 =	vmul.f32 $8.000000000e+00, v4;
	[tilespmem:s0+$0x190] =	vst v1  }
0x135: {  	[tilespmem:s0+$0xFFFFFE90] =	vst v2;
	v1 =	vmul.f32 $8.000000000e+00, v5;
	v2 =	vld [tilespmem:s30+$0x1A0]  }
0x136: {  	[tilespmem:s0+$0xFFFFFF10] =	vst v4;
	v4 =	vmul.f32 $8.000000000e+00, v7;
	v5 =	vld [tilespmem:s30+$0xFFFFFEA0]  }
0x137: {  	v7 =	vld [tilespmem:s30+$0xFFFFFF20];
	[tilespmem:s0+$0xFFFFFF90] =	vst v1;
	v0 =	vmul.f32 $8.000000000e+00, v0  }
0x138: {  	[tilespmem:s0+$0x10] =	vst v4;
	v1 =	vld [tilespmem:s30+$0xFFFFFFA0];
	v3 =	vmul.f32 $8.000000000e+00, v3  }
0x139: {  	v4 =	vmul.f32 $8.000000000e+00, v6;
	v6 =	vld [tilespmem:s30+$0x20];
	[tilespmem:s0+$0x90] =	vst v0  }
0x13a: {  	v0 =	vld [tilespmem:s30+$0xA0];
	[tilespmem:s0+$0x110] =	vst v3;
	v2 =	vmul.f32 $8.000000000e+00, v2  }
0x13b: {  	[tilespmem:s0+$0xFFFFFE10] =	vst v4;
	v3 =	vmul.f32 $8.000000000e+00, v5;
	v4 =	vld [tilespmem:s30+$0x120]  }
0x13c: {  	v5 =	vld [tilespmem:s30+$0xFFFFFE20];
	v7 =	vmul.f32 $8.000000000e+00, v7;
	[tilespmem:s0+$0x1A0] =	vst v2  }
0x13d: {  	[tilespmem:s0+$0xFFFFFEA0] =	vst v3;
	v1 =	vmul.f32 $8.000000000e+00, v1;
	v3 =	vld [tilespmem:s30+$0x1B0]  }
0x13e: {  	[tilespmem:s0+$0xFFFFFF20] =	vst v7;
	v2 =	vmul.f32 $8.000000000e+00, v6;
	v8 =	vld [tilespmem:s30+$0xFFFFFEB0]  }
0x13f: {  	v7 =	vld [tilespmem:s30+$0xFFFFFF30];
	[tilespmem:s0+$0xFFFFFFA0] =	vst v1;
	v1 =	vmul.f32 $8.000000000e+00, v0  }
0x140: {  	[tilespmem:s0+$0x20] =	vst v2;
	v0 =	vld [tilespmem:s30+$0xFFFFFFB0];
	v4 =	vmul.f32 $8.000000000e+00, v4  }
0x141: {  	v5 =	vmul.f32 $8.000000000e+00, v5;
	v2 =	vld [tilespmem:s30+$0x30];
	[tilespmem:s0+$0xA0] =	vst v1  }
0x142: {  	v1 =	vld [tilespmem:s30+$0xB0];
	[tilespmem:s0+$0x120] =	vst v4;
	v9 =	vmul.f32 $8.000000000e+00, v3  }
0x143: {  	[tilespmem:s0+$0xFFFFFE20] =	vst v5;
	v3 =	vld [tilespmem:s30+$0x130];
	v6 =	vmul.f32 $8.000000000e+00, v8  }
0x144: {  	s15 =	simm.s32 $0x800;
	s6 =	simm.s32 $0x0;
	v4 =	vld [tilespmem:s30+$0xFFFFFE30];
	v5 =	vmul.f32 $8.000000000e+00, v7;
	[tilespmem:s0+$0x1B0] =	vst v9  }
.LBB2_11:
0x145: {  	v7 =	vld [tilespmem:s15+$0x180];
	s6 =	sadd.s32 $0x8, s6;
	[tilespmem:s0+$0xFFFFFEB0] =	vst v6;
	v0 =	vmul.f32 $8.000000000e+00, v0  }
0x146: {  	v6 =	vld [tilespmem:s15+$0xFFFFFE80];
	p0 =	slt.u32 s6, $0x78;
	[tilespmem:s0+$0xFFFFFF30] =	vst v5;
	v2 =	vmul.f32 $8.000000000e+00, v2  }
0x147: {  	v5 =	vld [tilespmem:s15+$0xFFFFFF00];
	[tilespmem:s0+$0xFFFFFFB0] =	vst v0;
	v0 =	vmul.f32 $8.000000000e+00, v1  }
0x148: {  	v1 =	vld [tilespmem:s15+$0xFFFFFF80];
	[tilespmem:s0+$0x30] =	vst v2;
	v2 =	vmul.f32 $8.000000000e+00, v3  }
0x149: {  	v3 =	vld [tilespmem:s15+$0x0];
	v4 =	vmul.f32 $8.000000000e+00, v4;
	[tilespmem:s0+$0xB0] =	vst v0  }
0x14a: {  	v0 =	vld [tilespmem:s15+$0x80];
	v7 =	vmul.f32 $8.000000000e+00, v7;
	[tilespmem:s0+$0x130] =	vst v2  }
0x14b: {  	v2 =	vmul.f32 $8.000000000e+00, v6;
	v6 =	vld [tilespmem:s15+$0x100];
	[tilespmem:s0+$0xFFFFFE30] =	vst v4;
	s0 =	sadd.s32 $0x400, s0  }
0x14c: {  	v4 =	vld [tilespmem:s15+$0xFFFFFE00];
	v5 =	vmul.f32 $8.000000000e+00, v5;
	[tilespmem:s0+$0x180] =	vst v7  }
0x14d: {  	[tilespmem:s0+$0xFFFFFE80] =	vst v2;
	v1 =	vmul.f32 $8.000000000e+00, v1;
	v2 =	vld [tilespmem:s15+$0x190]  }
0x14e: {  	v7 =	vld [tilespmem:s15+$0xFFFFFE90];
	[tilespmem:s0+$0xFFFFFF00] =	vst v5;
	v3 =	vmul.f32 $8.000000000e+00, v3  }
0x14f: {  	v5 =	vld [tilespmem:s15+$0xFFFFFF10];
	[tilespmem:s0+$0xFFFFFF80] =	vst v1;
	v0 =	vmul.f32 $8.000000000e+00, v0  }
0x150: {  	v1 =	vld [tilespmem:s15+$0xFFFFFF90];
	[tilespmem:s0+$0x0] =	vst v3;
	v3 =	vmul.f32 $8.000000000e+00, v6  }
0x151: {  	v4 =	vmul.f32 $8.000000000e+00, v4;
	v6 =	vld [tilespmem:s15+$0x10];
	[tilespmem:s0+$0x80] =	vst v0  }
0x152: {  	v0 =	vld [tilespmem:s15+$0x90];
	[tilespmem:s0+$0x100] =	vst v3;
	v2 =	vmul.f32 $8.000000000e+00, v2  }
0x153: {  	[tilespmem:s0+$0xFFFFFE00] =	vst v4;
	v3 =	vmul.f32 $8.000000000e+00, v7;
	v4 =	vld [tilespmem:s15+$0x110]  }
0x154: {  	v7 =	vld [tilespmem:s15+$0xFFFFFE10];
	v5 =	vmul.f32 $8.000000000e+00, v5;
	[tilespmem:s0+$0x190] =	vst v2  }
0x155: {  	[tilespmem:s0+$0xFFFFFE90] =	vst v3;
	v1 =	vmul.f32 $8.000000000e+00, v1;
	v2 =	vld [tilespmem:s15+$0x1A0]  }
0x156: {  	v3 =	vld [tilespmem:s15+$0xFFFFFEA0];
	[tilespmem:s0+$0xFFFFFF10] =	vst v5;
	v5 =	vmul.f32 $8.000000000e+00, v6  }
0x157: {  	v6 =	vld [tilespmem:s15+$0xFFFFFF20];
	[tilespmem:s0+$0xFFFFFF90] =	vst v1;
	v0 =	vmul.f32 $8.000000000e+00, v0  }
0x158: {  	v1 =	vld [tilespmem:s15+$0xFFFFFFA0];
	[tilespmem:s0+$0x10] =	vst v5;
	v4 =	vmul.f32 $8.000000000e+00, v4  }
0x159: {  	v5 =	vmul.f32 $8.000000000e+00, v7;
	v7 =	vld [tilespmem:s15+$0x20];
	[tilespmem:s0+$0x90] =	vst v0  }
0x15a: {  	v0 =	vld [tilespmem:s15+$0xA0];
	[tilespmem:s0+$0x110] =	vst v4;
	v2 =	vmul.f32 $8.000000000e+00, v2  }
0x15b: {  	[tilespmem:s0+$0xFFFFFE10] =	vst v5;
	v3 =	vmul.f32 $8.000000000e+00, v3;
	v4 =	vld [tilespmem:s15+$0x120]  }
0x15c: {  	v5 =	vld [tilespmem:s15+$0xFFFFFE20];
	v6 =	vmul.f32 $8.000000000e+00, v6;
	[tilespmem:s0+$0x1A0] =	vst v2  }
0x15d: {  	[tilespmem:s0+$0xFFFFFEA0] =	vst v3;
	v1 =	vmul.f32 $8.000000000e+00, v1;
	v3 =	vld [tilespmem:s15+$0x1B0]  }
0x15e: {  	v8 =	vld [tilespmem:s15+$0xFFFFFEB0];
	[tilespmem:s0+$0xFFFFFF20] =	vst v6;
	v2 =	vmul.f32 $8.000000000e+00, v7  }
0x15f: {  	v7 =	vld [tilespmem:s15+$0xFFFFFF30];
	[tilespmem:s0+$0xFFFFFFA0] =	vst v1;
	v1 =	vmul.f32 $8.000000000e+00, v0  }
.Ltmp4:
0x160: {  	v0 =	vld [tilespmem:s15+$0xFFFFFFB0];
	[tilespmem:s0+$0x20] =	vst v2;
	v4 =	vmul.f32 $8.000000000e+00, v4;
	(pc) =	sbr.rel @p0 .LBB2_11-.Ltmp4, $4  }
0x161: {  	v5 =	vmul.f32 $8.000000000e+00, v5;
	v2 =	vld [tilespmem:s15+$0x30];
	[tilespmem:s0+$0xA0] =	vst v1  }
0x162: {  	v1 =	vld [tilespmem:s15+$0xB0];
	[tilespmem:s0+$0x120] =	vst v4;
	v9 =	vmul.f32 $8.000000000e+00, v3  }
0x163: {  	[tilespmem:s0+$0xFFFFFE20] =	vst v5;
	v6 =	vmul.f32 $8.000000000e+00, v8;
	v3 =	vld [tilespmem:s15+$0x130]  }
0x164: {  	v4 =	vld [tilespmem:s15+$0xFFFFFE30];
	v5 =	vmul.f32 $8.000000000e+00, v7;
	[tilespmem:s0+$0x1B0] =	vst v9;
	s15 =	sadd.s32 $0x400, s15  }
0x165: {  	[tilespmem:s0+$0xFFFFFEB0] =	vst v6;
	v0 =	vmul.f32 $8.000000000e+00, v0  }
0x166: {  	s9 =	sadd.s32 $0x1, s9;
	[tilespmem:s0+$0xFFFFFF30] =	vst v5;
	v2 =	vmul.f32 $8.000000000e+00, v2  }
0x167: {  	p0 =	sne.s32 s9, $0x32;
	[tilespmem:s0+$0xFFFFFFB0] =	vst v0;
	v61 =	vmul.f32 $8.000000000e+00, v1  }
.Ltmp5:
0x168: {  	s5 =	sshll.u32 s14, $0xE;
	[tilespmem:s0+$0x30] =	vst v2;
	v62 =	vmul.f32 $8.000000000e+00, v3;
	(pc) =	sbr.rel @p0 .LBB2_2-.Ltmp5, $4  }
0x169: {  	s5 =	sadd.s32 s7, s5;
	v63 =	vmul.f32 $8.000000000e+00, v4;
	[tilespmem:s0+$0xB0] =	vst v61  }
0x16a: {  	s5 =	sshrl.u32 s5, $0x3;
	[tilespmem:s0+$0x130] =	vst v62  }
0x16b: {  	s30 =	sadd.s32 s8, s5;
	[tilespmem:s0+$0xFFFFFE30] =	vst v63  }
0x16c: {  	[hbm4b:s30+s4] =	stream.linear.scatter [tilespmem:s25], [sflag:$0x7], $0x4000, $0x38;
	[tilespmem:$0x10200] =	vst v63  }
0x16d: {  	_ =	swait.ge [sflag:s29], $0x4000  }
0x16e: {  	[sflag:s29] =	ssyncset.done $0x0  }
0x16f: {  	s0 =	simm.s32 $0x0;
	[sflag:s29] =	ssyncadd.s32 $0xFFFFC000  }
0x170: {  	v0 =	vld [tilespmem:s0+$0x45B0]  }
0x171: {  	v1 =	vld [tilespmem:s0+$0x4200]  }
0x172: {  	v2 =	vld [tilespmem:s0+$0x4210]  }
0x173: {  	v3 =	vld [tilespmem:s0+$0x4220]  }
0x174: {  	v4 =	vld [tilespmem:s0+$0x4230]  }
0x175: {  	v5 =	vld [tilespmem:s0+$0x4280];
	v0 =	vmul.f32 $8.000000000e+00, v0  }
0x176: {  	v6 =	vld [tilespmem:s0+$0x4290];
	v1 =	vmul.f32 $8.000000000e+00, v1  }
0x177: {  	v7 =	vld [tilespmem:s0+$0x42A0];
	v2 =	vmul.f32 $8.000000000e+00, v2;
	[tilespmem:s0+$0xC5B0] =	vst v0  }
0x178: {  	[tilespmem:s0+$0xC200] =	vst v1;
	v0 =	vmul.f32 $8.000000000e+00, v3;
	v1 =	vld [tilespmem:s0+$0x42B0]  }
0x179: {  	[tilespmem:s0+$0xC210] =	vst v2;
	v2 =	vmul.f32 $8.000000000e+00, v4;
	v3 =	vld [tilespmem:s0+$0x4300]  }
0x17a: {  	v4 =	vld [tilespmem:s0+$0x4310];
	[tilespmem:s0+$0xC220] =	vst v0;
	v0 =	vmul.f32 $8.000000000e+00, v5  }
0x17b: {  	[tilespmem:s0+$0xC230] =	vst v2;
	v2 =	vmul.f32 $8.000000000e+00, v6;
	v5 =	vld [tilespmem:s0+$0x4320]  }
0x17c: {  	v6 =	vld [tilespmem:s0+$0x4330];
	[tilespmem:s0+$0xC280] =	vst v0;
	v0 =	vmul.f32 $8.000000000e+00, v7  }
0x17d: {  	[tilespmem:s0+$0xC290] =	vst v2;
	v2 =	vld [tilespmem:s0+$0x4380];
	v1 =	vmul.f32 $8.000000000e+00, v1  }
0x17e: {  	[tilespmem:s0+$0xC2A0] =	vst v0;
	v0 =	vmul.f32 $8.000000000e+00, v3;
	v3 =	vld [tilespmem:s0+$0x4390]  }
0x17f: {  	[tilespmem:s0+$0xC2B0] =	vst v1;
	v1 =	vmul.f32 $8.000000000e+00, v4;
	v4 =	vld [tilespmem:s0+$0x43A0]  }
0x180: {  	[tilespmem:s0+$0xC300] =	vst v0;
	v0 =	vmul.f32 $8.000000000e+00, v5;
	v5 =	vld [tilespmem:s0+$0x43B0]  }
0x181: {  	[tilespmem:s0+$0xC310] =	vst v1;
	v1 =	vmul.f32 $8.000000000e+00, v6;
	v6 =	vld [tilespmem:s0+$0x4400]  }
0x182: {  	[tilespmem:s0+$0xC320] =	vst v0;
	v0 =	vmul.f32 $8.000000000e+00, v2;
	v2 =	vld [tilespmem:s0+$0x4410]  }
0x183: {  	[tilespmem:s0+$0xC330] =	vst v1;
	v1 =	vmul.f32 $8.000000000e+00, v3;
	v3 =	vld [tilespmem:s0+$0x4420]  }
0x184: {  	[tilespmem:s0+$0xC380] =	vst v0;
	v0 =	vmul.f32 $8.000000000e+00, v4;
	v4 =	vld [tilespmem:s0+$0x4430]  }
0x185: {  	[tilespmem:s0+$0xC390] =	vst v1;
	v1 =	vmul.f32 $8.000000000e+00, v5;
	v5 =	vld [tilespmem:s0+$0x4480]  }
0x186: {  	[tilespmem:s0+$0xC3A0] =	vst v0;
	v0 =	vmul.f32 $8.000000000e+00, v6;
	v6 =	vld [tilespmem:s0+$0x4490]  }
0x187: {  	[tilespmem:s0+$0xC3B0] =	vst v1;
	v1 =	vmul.f32 $8.000000000e+00, v2;
	v2 =	vld [tilespmem:s0+$0x44A0]  }
0x188: {  	v7 =	vld [tilespmem:s0+$0x44B0];
	[tilespmem:s0+$0xC400] =	vst v0;
	v0 =	vmul.f32 $8.000000000e+00, v3  }
0x189: {  	[tilespmem:s0+$0xC410] =	vst v1;
	v1 =	vmul.f32 $8.000000000e+00, v4;
	v4 =	vld [tilespmem:s0+$0x4500]  }
0x18a: {  	v3 =	vld [tilespmem:s0+$0x4510];
	[tilespmem:s0+$0xC420] =	vst v0;
	v5 =	vmul.f32 $8.000000000e+00, v5  }
0x18b: {  	v0 =	vld [tilespmem:s0+$0x4520];
	[tilespmem:s0+$0xC430] =	vst v1;
	v6 =	vmul.f32 $8.000000000e+00, v6  }
0x18c: {  	v1 =	vld [tilespmem:s0+$0x4530];
	[tilespmem:s0+$0xC480] =	vst v5;
	v5 =	vmul.f32 $8.000000000e+00, v2  }
0x18d: {  	v2 =	vld [tilespmem:s0+$0x4580];
	[tilespmem:s0+$0xC490] =	vst v6;
	v6 =	vmul.f32 $8.000000000e+00, v7  }
0x18e: {  	s6 =	simm.s32 $0x0;
	s9 =	simm.s32 $0x1000;
	[tilespmem:s0+$0xC4A0] =	vst v5;
	v5 =	vmul.f32 $8.000000000e+00, v4;
	v4 =	vld [tilespmem:s0+$0x4590]  }
.LBB2_14:
0x18f: {  	s5 =	sshra.s32 s9, $0x2;
	s6 =	sadd.s32 $0x8, s6;
	[tilespmem:s0+$0xC4B0] =	vst v6;
	v3 =	vmul.f32 $8.000000000e+00, v3;
	v6 =	vld [tilespmem:s0+$0x45A0]  }
0x190: {  	v7 =	vld [tilespmem:s5+$0x45B0];
	p0 =	slt.u32 s6, $0x78;
	[tilespmem:s0+$0xC500] =	vst v5;
	v0 =	vmul.f32 $8.000000000e+00, v0  }
0x191: {  	v5 =	vld [tilespmem:s5+$0x4200];
	[tilespmem:s0+$0xC510] =	vst v3;
	v1 =	vmul.f32 $8.000000000e+00, v1  }
0x192: {  	v3 =	vld [tilespmem:s5+$0x4210];
	[tilespmem:s0+$0xC520] =	vst v0;
	v0 =	vmul.f32 $8.000000000e+00, v2  }
0x193: {  	v2 =	vld [tilespmem:s5+$0x4220];
	[tilespmem:s0+$0xC530] =	vst v1;
	v1 =	vmul.f32 $8.000000000e+00, v4  }
0x194: {  	v4 =	vld [tilespmem:s5+$0x4230];
	[tilespmem:s0+$0xC580] =	vst v0;
	v0 =	vmul.f32 $8.000000000e+00, v6  }
0x195: {  	v6 =	vld [tilespmem:s5+$0x4280];
	v7 =	vmul.f32 $8.000000000e+00, v7;
	[tilespmem:s0+$0xC590] =	vst v1  }
0x196: {  	v1 =	vmul.f32 $8.000000000e+00, v5;
	v5 =	vld [tilespmem:s5+$0x4290];
	[tilespmem:s0+$0xC5A0] =	vst v0;
	s0 =	smov.u32 s5  }
0x197: {  	v0 =	vmul.f32 $8.000000000e+00, v3;
	v3 =	vld [tilespmem:s0+$0x42A0];
	[tilespmem:s0+$0xC5B0] =	vst v7  }
0x198: {  	[tilespmem:s0+$0xC200] =	vst v1;
	v1 =	vmul.f32 $8.000000000e+00, v2;
	v2 =	vld [tilespmem:s0+$0x42B0]  }
0x199: {  	[tilespmem:s0+$0xC210] =	vst v0;
	v0 =	vmul.f32 $8.000000000e+00, v4;
	v4 =	vld [tilespmem:s0+$0x4300]  }
0x19a: {  	[tilespmem:s0+$0xC220] =	vst v1;
	v1 =	vmul.f32 $8.000000000e+00, v6;
	v6 =	vld [tilespmem:s0+$0x4310]  }
0x19b: {  	[tilespmem:s0+$0xC230] =	vst v0;
	v0 =	vmul.f32 $8.000000000e+00, v5;
	v5 =	vld [tilespmem:s0+$0x4320]  }
0x19c: {  	[tilespmem:s0+$0xC280] =	vst v1;
	v1 =	vmul.f32 $8.000000000e+00, v3;
	v3 =	vld [tilespmem:s0+$0x4330]  }
0x19d: {  	[tilespmem:s0+$0xC290] =	vst v0;
	v0 =	vmul.f32 $8.000000000e+00, v2;
	v2 =	vld [tilespmem:s0+$0x4380]  }
0x19e: {  	[tilespmem:s0+$0xC2A0] =	vst v1;
	v1 =	vmul.f32 $8.000000000e+00, v4;
	v4 =	vld [tilespmem:s0+$0x4390]  }
0x19f: {  	[tilespmem:s0+$0xC2B0] =	vst v0;
	v0 =	vmul.f32 $8.000000000e+00, v6;
	v6 =	vld [tilespmem:s0+$0x43A0]  }
0x1a0: {  	[tilespmem:s0+$0xC300] =	vst v1;
	v1 =	vmul.f32 $8.000000000e+00, v5;
	v5 =	vld [tilespmem:s0+$0x43B0]  }
0x1a1: {  	[tilespmem:s0+$0xC310] =	vst v0;
	v0 =	vmul.f32 $8.000000000e+00, v3;
	v3 =	vld [tilespmem:s0+$0x4400]  }
0x1a2: {  	[tilespmem:s0+$0xC320] =	vst v1;
	v1 =	vmul.f32 $8.000000000e+00, v2;
	v2 =	vld [tilespmem:s0+$0x4410]  }
0x1a3: {  	[tilespmem:s0+$0xC330] =	vst v0;
	v0 =	vmul.f32 $8.000000000e+00, v4;
	v4 =	vld [tilespmem:s0+$0x4420]  }
0x1a4: {  	[tilespmem:s0+$0xC380] =	vst v1;
	v1 =	vmul.f32 $8.000000000e+00, v6;
	v6 =	vld [tilespmem:s0+$0x4430]  }
0x1a5: {  	[tilespmem:s0+$0xC390] =	vst v0;
	v0 =	vmul.f32 $8.000000000e+00, v5;
	v5 =	vld [tilespmem:s0+$0x4480]  }
0x1a6: {  	[tilespmem:s0+$0xC3A0] =	vst v1;
	v1 =	vmul.f32 $8.000000000e+00, v3;
	v7 =	vld [tilespmem:s0+$0x4490]  }
0x1a7: {  	[tilespmem:s0+$0xC3B0] =	vst v0;
	v0 =	vmul.f32 $8.000000000e+00, v2;
	v2 =	vld [tilespmem:s0+$0x44A0]  }
0x1a8: {  	[tilespmem:s0+$0xC400] =	vst v1;
	v1 =	vmul.f32 $8.000000000e+00, v4;
	v4 =	vld [tilespmem:s0+$0x44B0]  }
0x1a9: {  	[tilespmem:s0+$0xC410] =	vst v0;
	v0 =	vmul.f32 $8.000000000e+00, v6;
	v8 =	vld [tilespmem:s0+$0x4500]  }
.Ltmp6:
0x1aa: {  	[tilespmem:s0+$0xC420] =	vst v1;
	v1 =	vmul.f32 $8.000000000e+00, v5;
	v3 =	vld [tilespmem:s0+$0x4510];
	(pc) =	sbr.rel @p0 .LBB2_14-.Ltmp6, $4  }
0x1ab: {  	[tilespmem:s0+$0xC430] =	vst v0;
	v5 =	vmul.f32 $8.000000000e+00, v7;
	v0 =	vld [tilespmem:s0+$0x4520]  }
0x1ac: {  	[tilespmem:s0+$0xC480] =	vst v1;
	v7 =	vmul.f32 $8.000000000e+00, v2;
	v1 =	vld [tilespmem:s0+$0x4530]  }
0x1ad: {  	[tilespmem:s0+$0xC490] =	vst v5;
	v6 =	vmul.f32 $8.000000000e+00, v4;
	v2 =	vld [tilespmem:s0+$0x4580]  }
0x1ae: {  	s9 =	sadd.s32 $0x1000, s9;
	[tilespmem:s0+$0xC4A0] =	vst v7;
	v5 =	vmul.f32 $8.000000000e+00, v8;
	v4 =	vld [tilespmem:s0+$0x4590]  }
0x1af: {  	[tilespmem:s0+$0xC4B0] =	vst v6;
	v3 =	vmul.f32 $8.000000000e+00, v3;
	v60 =	vld [tilespmem:s0+$0x45A0]  }
0x1b0: {  	[tilespmem:s0+$0xC500] =	vst v5;
	v0 =	vmul.f32 $8.000000000e+00, v0  }
0x1b1: {  	[tilespmem:s0+$0xC510] =	vst v3;
	v1 =	vmul.f32 $8.000000000e+00, v1  }
0x1b2: {  	[tilespmem:s0+$0xC520] =	vst v0;
	v61 =	vmul.f32 $8.000000000e+00, v2  }
0x1b3: {  	[tilespmem:s0+$0xC530] =	vst v1;
	v62 =	vmul.f32 $8.000000000e+00, v4  }
0x1b4: {  	[tilespmem:s0+$0xC580] =	vst v61;
	v63 =	vmul.f32 $8.000000000e+00, v60  }
0x1b5: {  	[tilespmem:s0+$0xC590] =	vst v62  }
0x1b6: {  	[tilespmem:s0+$0xC5A0] =	vst v63  }
0x1b7: {  	s5 =	simm.s32 $0xC200;
	s0 =	rddreg [dreg:$0x7]  }
0x1b8: {  	[hbm4b:s0+s4] =	stream.linear.scatter [tilespmem:s5], [sflag:$0x8], $0x4000, $0x38;
	[tilespmem:$0x10200] =	vst v63  }
0x1b9: {  	_ =	swait.ge [sflag:s28], $0x4000  }
0x1ba: {  	[sflag:s28] =	ssyncset.done $0x0  }
0x1bb: {  	[sflag:s28] =	ssyncadd.s32 $0xFFFFC000  }
0x1bc: {  	_ =	swait.ge [sflag:s2], $0x4000  }
0x1bd: {  	s16 =	rddreg [dreg:$0xa]  }
0x1be: {  	s30 =	rddreg [dreg:$0x8];
	s5 =	sadd.s32 $0x1, s16  }
0x1bf: {  	p0 =	sne.s32 s5, s30  }
.Ltmp7:
0x1c0: {  	_ = 	snop;
	(pc) =	sbr.rel @p0 .LBB2_1-.Ltmp7, $3  }
0x1c1: {  	_ =	sdelay $0x1  }
0x1c2: {  	[sflag:s2] =	ssyncset.done $0x0  }
0x1c3: {  	[sflag:s2] =	ssyncadd.s32 $0xFFFFC000  }
0x1c4: {  	_ =	sfence.sel $0x180000  }
0x1c5: {  	[bflag:$0x0] =	sbarrier.arrive $0xFFFF  }
0x1c6: {  	_ =	strace $0x90000047  }
0x1c7: {  	s0 =	stileid.u32;
	[bflag:$0x2] =	sbarrier.arrive $0xFFFF  }
0x1c8: {  	p0 =	sne.s32 s0, $0x0;
	s0 =	rddreg [dreg:$0x3]  }
0x1c9: {  	s0 =	sadd.s32 @!p0 $0x100000, s0  }
0x1ca: {  	[sflag:s0] =	ssyncadd.tile.s32 @!p0 $0x1;
	_ =	shalt  }
.Lfunc_end2:
_tile_overlayer_lowered:
.L_overlay_start_2:
0x1cb: {  	(tag) =	ssettag $0x2  }
0x1cc: {  	s0 =	rddreg [dreg:$0x0];
	s2 =	stileid.u32  }
0x1cd: {  	s1 =	rddreg [dreg:$0x1];
	p0 =	sne.s32 s2, $0x0  }
0x1ce: {  	s3 =	rddreg [dreg:$0x2];
	[bflag:$0x3] =	sbarrier.arrive $0xFFFF;
	s2 =	simm.s32 @!p0 $0x1C09  }
0x1cf: {  	[timem:s3], [sflag:s2] =	dma.local @!p0 [hbm:s0], s1  }
0x1d0: {  	s0 =	simm.s32 @!p0 $0x9  }
0x1d1: {  	_ =	swait.ge @!p0 [sflag:s0], s1  }
0x1d2: {  	s1 =	ssub.s32 @!p0 $0x0, s1;
	[sflag:s0] =	ssyncset.done @!p0 $0x0  }
0x1d3: {  	[sflag:s0] =	ssyncadd.s32 @!p0 s1  }
0x1d4: {  	[bflag:$0x3] =	sbarrier.arrive $0xFFFF  }
0x1d5: {  	_ =	shalt  }

</sc_bundles>
